<compile_context>
chip_gen: v7x
topology: tpu7x:2x2x1
jax: 0.10.2.dev20260603
libtpu: 0.0.44.dev20260713+nightly
codegen_flags: <defaults>
</compile_context>

<pallas_src>
import functools

import jax
import jax.numpy as jnp
from jax import lax
from jax.experimental import pallas as pl
from jax.experimental.pallas import tpu as pltpu
from jax.experimental.pallas import tpu_sc as plsc

N = 10000
E = 320000
D = 128
G = 16
NPAD = 10240
ROWS = NPAD // 128
NC = 2
NS = 16
L = 16
NW = NC * NS
EPW = E // NW
CHUNK = NPAD // NS
BATCH_PAD = 127


def _sc_mesh():
  return plsc.VectorSubcoreMesh(core_axis_name="c", subcore_axis_name="s")


def _deg_sc(edge_index):
  @functools.partial(
      pl.kernel,
      out_type=jax.ShapeDtypeStruct((NC, NPAD), jnp.float32),
      mesh=_sc_mesh(),
      compiler_params=pltpu.CompilerParams(needs_layout_passes=False),
      scratch_types=[
          pltpu.VMEM((EPW,), jnp.int32),
          pltpu.VMEM((NPAD,), jnp.float32),
          pltpu.VMEM((NS, CHUNK), jnp.float32),
          pltpu.VMEM_SHARED((NS, NPAD), jnp.float32),
      ],
  )
  def body(ei_hbm, out_hbm, col_v, acc_v, red_v, shared):
    cid = lax.axis_index("c")
    sid = lax.axis_index("s")
    wid = cid * NS + sid
    pltpu.sync_copy(ei_hbm.at[pl.ds(E + wid * EPW, EPW)], col_v)
    zeros = jnp.zeros((L,), jnp.float32)
    ones = jnp.ones((L,), jnp.float32)

    def zbody(i, _):
      acc_v[pl.ds(i * L, L)] = zeros
      return 0
    lax.fori_loop(0, NPAD // L, zbody, 0)

    def ebody(i, _):
      idx = col_v[pl.ds(i * L, L)]
      plsc.addupdate_scatter(acc_v, [idx], ones)
      return 0
    lax.fori_loop(0, EPW // L, ebody, 0)

    pltpu.sync_copy(acc_v, shared.at[sid])
    plsc.subcore_barrier()
    off = sid * CHUNK
    pltpu.sync_copy(shared.at[:, pl.ds(off, CHUNK)], red_v)

    def rbody(i, _):
      acc = red_v[0, pl.ds(i * L, L)]
      for j in range(1, NS):
        acc = acc + red_v[j, pl.ds(i * L, L)]
      red_v[0, pl.ds(i * L, L)] = acc
      return 0
    lax.fori_loop(0, CHUNK // L, rbody, 0)
    pltpu.sync_copy(red_v.at[0], out_hbm.at[cid, pl.ds(off, CHUNK)])

  return body(edge_index)


def _agg_sc(edge_index, u):
  @functools.partial(
      pl.kernel,
      out_type=jax.ShapeDtypeStruct((NC, NPAD), jnp.float32),
      mesh=_sc_mesh(),
      compiler_params=pltpu.CompilerParams(needs_layout_passes=False),
      scratch_types=[
          pltpu.VMEM((EPW,), jnp.int32),
          pltpu.VMEM((EPW,), jnp.int32),
          pltpu.VMEM((NPAD,), jnp.float32),
          pltpu.VMEM((NPAD,), jnp.float32),
          pltpu.VMEM((NS, CHUNK), jnp.float32),
          pltpu.VMEM_SHARED((NS, NPAD), jnp.float32),
      ],
  )
  def body(ei_hbm, u_hbm, out_hbm, row_v, col_v, u_v, acc_v, red_v,
           shared):
    cid = lax.axis_index("c")
    sid = lax.axis_index("s")
    wid = cid * NS + sid
    pltpu.sync_copy(ei_hbm.at[pl.ds(wid * EPW, EPW)], row_v)
    pltpu.sync_copy(ei_hbm.at[pl.ds(E + wid * EPW, EPW)], col_v)
    pltpu.sync_copy(u_hbm, u_v)
    zeros = jnp.zeros((L,), jnp.float32)

    def zbody(i, _):
      acc_v[pl.ds(i * L, L)] = zeros
      return 0
    lax.fori_loop(0, NPAD // L, zbody, 0)

    def ebody(i, _):
      r = row_v[pl.ds(i * L, L)]
      c = col_v[pl.ds(i * L, L)]
      vals = plsc.load_gather(u_v, [r])
      plsc.addupdate_scatter(acc_v, [c], vals)
      return 0
    lax.fori_loop(0, EPW // L, ebody, 0)

    pltpu.sync_copy(acc_v, shared.at[sid])
    plsc.subcore_barrier()
    off = sid * CHUNK
    pltpu.sync_copy(shared.at[:, pl.ds(off, CHUNK)], red_v)

    def rbody(i, _):
      acc = red_v[0, pl.ds(i * L, L)]
      for j in range(1, NS):
        acc = acc + red_v[j, pl.ds(i * L, L)]
      red_v[0, pl.ds(i * L, L)] = acc
      return 0
    lax.fori_loop(0, CHUNK // L, rbody, 0)
    pltpu.sync_copy(red_v.at[0], out_hbm.at[cid, pl.ds(off, CHUNK)])

  return body(edge_index, u)


def _prep_tc_body(out_ref, z_ref, w_ref, deg_ref, u_ref, dinv_ref, rm_ref):
  w_head = w_ref[0:D, :]
  w_last = w_ref[D, 0]
  h = jnp.dot(out_ref[...], w_head,
              preferred_element_type=jnp.float32)
  h = h.reshape(ROWS, 128)
  rm = (z_ref[...] != 100).astype(jnp.float32)
  h = h + rm * w_last
  deg = deg_ref[0] + deg_ref[1] + 1.0
  dinv = lax.rsqrt(deg)
  dinv_ref[...] = dinv
  u_ref[...] = h * dinv
  rm_ref[...] = rm


def _prep_tc(out_p, z_p, w, deg2):
  return pl.pallas_call(
      _prep_tc_body,
      out_shape=(
          jax.ShapeDtypeStruct((ROWS, 128), jnp.float32),
          jax.ShapeDtypeStruct((ROWS, 128), jnp.float32),
          jax.ShapeDtypeStruct((ROWS, 128), jnp.float32),
      ),
  )(out_p, z_p, w, deg2)


def _meta_tc_body(batch_ref, o_ref):
  batch = batch_ref[...]
  bc = jnp.minimum(batch, G - 1)
  bmin = jnp.min(bc, axis=1, keepdims=True)
  bmax = jnp.max(bc, axis=1, keepdims=True)

  batch_f = batch.reshape(1, NPAD)
  gids = lax.broadcasted_iota(jnp.int32, (G, 1), 0)
  eq_f = jnp.where(batch_f == gids, 1.0, 0.0)
  counts_r = jnp.sum(eq_f, axis=1).reshape(1, G)
  li = lax.broadcasted_iota(jnp.int32, (G, G), 0)
  lj = lax.broadcasted_iota(jnp.int32, (G, G), 1)
  upper = jnp.where(li < lj, 1.0, 0.0)
  starts_r = jnp.dot(counts_r, upper,
                     preferred_element_type=jnp.float32)
  ends_r = starts_r + counts_r

  gids_r = lax.broadcasted_iota(jnp.int32, (1, G), 1)
  lo = jnp.sum(jnp.where(bmin == gids_r, starts_r, 0.0), axis=1,
               keepdims=True)
  end = jnp.sum(jnp.where(bmax == gids_r, ends_r, 0.0), axis=1,
                keepdims=True)
  lo_cb = jnp.floor(lo * (1.0 / 128.0)).astype(jnp.int32)
  hi_cb = jnp.floor((end + 127.0) * (1.0 / 128.0)).astype(jnp.int32)
  o_ref[:, 0:1] = lo_cb
  o_ref[:, 1:2] = hi_cb


def _meta_tc(batch_p):
  return pl.pallas_call(
      _meta_tc_body,
      out_shape=jax.ShapeDtypeStruct((ROWS, 8), jnp.int32),
  )(batch_p)


def _pool_tc_body(out_ref, rm_ref, batch_ref, u_ref, dinv_ref, agg2_ref, b_ref,
                  meta_ref, o_ref, rank_ref, score_ref):
  u = u_ref[...]
  agg = dinv_ref[...] * (agg2_ref[0] + agg2_ref[1] + u)
  score = jnp.tanh(agg + b_ref[0, 0])
  score_ref[...] = score

  batch = batch_ref[...]
  batch_f = batch.reshape(1, NPAD)
  gids = lax.broadcasted_iota(jnp.int32, (G, 1), 0)
  eq_f = jnp.where(batch_f == gids, 1.0, 0.0)
  counts = jnp.sum(eq_f, axis=1, keepdims=True)
  k = jnp.floor((counts + 1.0) * 0.5)
  k_node = jnp.sum(eq_f * k, axis=0).reshape(ROWS, 128)

  def rbody(rb, _):
    s_blk = score_ref[pl.ds(rb, 1), :].reshape(128, 1)
    b_blk = batch_ref[pl.ds(rb, 1), :].reshape(128, 1)
    i_blk = rb * 128 + lax.broadcasted_iota(jnp.int32, (128, 1), 0)
    lo = meta_ref[rb, 0]
    hi = meta_ref[rb, 1]

    def cbody(cb, acc):
      s_col = score_ref[pl.ds(cb, 1), :]
      b_col = batch_ref[pl.ds(cb, 1), :]
      i_col = cb * 128 + lax.broadcasted_iota(jnp.int32, (1, 128), 1)
      beats = jnp.where(
          (b_col == b_blk) & (
              (s_col > s_blk) | ((s_col == s_blk) & (i_col < i_blk))),
          1.0, 0.0)
      return acc + jnp.sum(beats, axis=1, keepdims=True)

    rank = lax.fori_loop(lo, hi, cbody, jnp.zeros((128, 1), jnp.float32))
    rank_ref[pl.ds(rb, 1), :] = rank.reshape(1, 128)
    return 0

  lax.fori_loop(0, ROWS, rbody, 0)
  sel = jnp.where(rank_ref[...] < k_node, 1.0, 0.0)
  sel_f = sel.reshape(1, NPAD)
  w_gate = (sel * score).reshape(1, NPAD)

  a = eq_f * w_gate
  sums = jnp.dot(a, out_ref[...], preferred_element_type=jnp.float32)
  rm_f = rm_ref[...].reshape(1, NPAD)
  rm_sum = jnp.sum(a * rm_f, axis=1, keepdims=True)
  nsel = jnp.sum(eq_f * sel_f, axis=1, keepdims=True)
  denom = jnp.maximum(nsel, 1.0)
  o_ref[:, 0:D] = sums / denom
  o_ref[:, D:D + 1] = rm_sum / denom


def _pool_tc(out_p, rm, batch_p, u, dinv, agg2, b2, meta):
  return pl.pallas_call(
      _pool_tc_body,
      out_shape=jax.ShapeDtypeStruct((G, D + 1), jnp.float32),
      in_specs=[pl.BlockSpec(memory_space=pltpu.VMEM)] * 7
      + [pl.BlockSpec(memory_space=pltpu.SMEM)],
      scratch_shapes=[pltpu.VMEM((ROWS, 128), jnp.float32),
                      pltpu.VMEM((ROWS, 128), jnp.float32)],
  )(out_p, rm, batch_p, u, dinv, agg2, b2, meta)


def kernel(out, z, edge_index, edge_attr, batch, W, b):
  del edge_attr
  out_p = jnp.pad(out, ((0, NPAD - N), (0, 0)))
  z_p = jnp.pad(z, (0, NPAD - N), constant_values=100).reshape(ROWS, 128)
  batch_p = jnp.pad(batch, (0, NPAD - N),
                    constant_values=BATCH_PAD).reshape(ROWS, 128)

  meta = _meta_tc(batch_p)
  ei_flat = edge_index.reshape(2 * E)
  deg2 = _deg_sc(ei_flat)
  u, dinv, rm = _prep_tc(out_p, z_p, W,
                         deg2.reshape(2, ROWS, 128))
  agg2 = _agg_sc(ei_flat, u.reshape(NPAD))
  return _pool_tc(out_p, rm, batch_p, u, dinv,
                  agg2.reshape(2, ROWS, 128), b.reshape(1, 1), meta)

# --- scband reference (transcript-rebuilt; emitter-appended) ---
"""Pipeline reference for scband-self-attention-rvpooling-45535243272771 (READ-ONLY COPY).

The authoritative reference and input builder live on the scoring server;
editing this copy changes nothing except your own understanding.
"""

import jax, jax.numpy as jnp
import numpy as np

N = 10000
E = 320000
D = 128
G = 16
RATIO = 0.5
DE = 4


def setup_inputs(seed: int = 0) -> dict:
    key = jax.random.key(seed)
    ks = jax.random.split(key, 6)
    out = jax.random.normal(ks[0], (N, D), dtype=jnp.float32)
    z = jax.random.randint(ks[1], (N,), 0, 101)
    edge_index = jax.random.randint(ks[2], (2, E), 0, N)
    edge_attr = jax.random.normal(ks[3], (E, DE), dtype=jnp.float32)
    batch = jnp.sort(jax.random.randint(ks[4], (N,), 0, G))
    W = jax.random.normal(ks[5], (D + 1, 1), dtype=jnp.float32) / np.sqrt(D + 1)
    b = jnp.zeros((1,), dtype=jnp.float32)
    return {"out": out, "z": z, "edge_index": edge_index, "edge_attr": edge_attr, "batch": batch, "W": W, "b": b}


def _forward(out, z, edge_index, batch, W, b):
    # concatenate real/virtual bit (1 for real, 0 for virtual where z == 100)
    real_mask = (z != 100).astype(out.dtype)[:, None]
    x = jnp.concatenate([out, real_mask], axis=-1).astype(jnp.float32)
    # GCNConv scoring head (in_channels+1 -> 1) with self loops and symmetric norm
    loop = jnp.arange(N)
    row = jnp.concatenate([edge_index[0], loop])
    col = jnp.concatenate([edge_index[1], loop])
    deg = jnp.zeros((N,), x.dtype).at[col].add(1.0)
    dinv = jnp.where(deg > 0, deg ** -0.5, 0.0)
    norm = dinv[row] * dinv[col]
    h = (x @ W).reshape(-1)
    agg = jnp.zeros((N,), x.dtype).at[col].add(h[row] * norm)
    score = jnp.tanh(agg + b[0])
    # SAGPooling top-k per graph: keep ceil(ratio * n_b) highest-scoring nodes of each graph
    counts = jnp.bincount(batch, length=G)
    k = jnp.ceil(RATIO * counts).astype(jnp.int32)
    starts = jnp.concatenate([jnp.zeros((1,), counts.dtype), jnp.cumsum(counts)[:-1]])
    order = jnp.lexsort((-score, batch))
    pos = jnp.arange(N) - starts[batch[order]]
    sel = pos < k[batch[order]]
    mask = jnp.zeros((N,), bool).at[order].set(sel)
    # retained nodes are gated by their score, then global_mean_pool per graph
    gated = x * score[:, None] * mask[:, None].astype(x.dtype)
    sums = jnp.zeros((G, x.shape[1]), x.dtype).at[batch].add(gated)
    nsel = jnp.zeros((G,), x.dtype).at[batch].add(mask.astype(x.dtype))
    return sums / jnp.maximum(nsel, 1.0)[:, None]


def reference(out, z, edge_index, edge_attr, batch, W, b):
    # edge_attr is only filtered/passed through by SAGPooling and does not
    # affect the pooled node-feature output that the module returns.
    return _forward(out, z, edge_index, batch, W, b)

if __name__ == "__main__":
    import jax
    _d = setup_inputs()
    print(jax.jit(kernel)(*tuple(_d.values())))

</pallas_src>

<mosaic_0001>
#map = affine_map<(d0, d1) -> (0)>
#map1 = affine_map<(d0, d1) -> (0, 0)>
module attributes {stable_mosaic.version = 14 : i64} {
  func.func @body(%arg0: i32, %arg1: i32, %arg2: memref<640000xi32, #tpu.memory_space<hbm>>, %arg3: memref<2x10240xf32, #tpu.memory_space<hbm>>, %arg4: memref<10000xi32, #tpu.memory_space<vmem>>, %arg5: memref<10240xf32, #tpu.memory_space<vmem>>, %arg6: memref<16x640xf32, #tpu.memory_space<vmem>>, %arg7: memref<16x10240xf32, #tpu.memory_space<vmem_shared>>) attributes {dimension_semantics = [#tpu.dimension_semantics<core_parallel>, #tpu.dimension_semantics<subcore_parallel>], iteration_bounds = array<i64: 2, 16>, scalar_prefetch = 0 : i64, scratch_operands = 4 : i64, tpu.core_type = #tpu.core_type<sc_vector_subcore>, window_params = [{transform_indices = #map}, {transform_indices = #map1}]} {
    %mul3A = arith.constant 16 : i32
    %mul3A_0 = arith.muli %arg0, %mul3A : i32
    %add3A = arith.addi %mul3A_0, %arg1 : i32
    %mul3A_1 = arith.constant 10000 : i32
    %mul3A_2 = arith.muli %add3A, %mul3A_1 : i32
    %add3A_3 = arith.constant 320000 : i32
    %add3A_4 = arith.addi %add3A_3, %mul3A_2 : i32
    "tpu.region"() ({
      %run_scoped3A_30 = tpu.sem_alloc : memref<!tpu.dma_semaphore, #tpu.memory_space<semaphore_mem>>
      %dma_start3A = tpu.memref_slice %arg2[%add3A_4] : memref<640000xi32, #tpu.memory_space<hbm>> -> memref<10000xi32, #tpu.memory_space<hbm>>
      %dma_start3A_31 = tpu.memref_slice %arg2[%add3A_4] : memref<640000xi32, #tpu.memory_space<hbm>> -> memref<10000xi32, #tpu.memory_space<hbm>>
      tpu.enqueue_dma source(%dma_start3A_31 : memref<10000xi32, #tpu.memory_space<hbm>>) target(%arg4 : memref<10000xi32, #tpu.memory_space<vmem>>) target_semaphore(%run_scoped3A_30 : memref<!tpu.dma_semaphore, #tpu.memory_space<semaphore_mem>>)
      %dma_wait3A = tpu.memref_slice %arg2[%add3A_4] : memref<640000xi32, #tpu.memory_space<hbm>> -> memref<10000xi32, #tpu.memory_space<hbm>>
      %dma_wait3A_32 = tpu.memref_slice %arg2[%add3A_4] : memref<640000xi32, #tpu.memory_space<hbm>> -> memref<10000xi32, #tpu.memory_space<hbm>>
      tpu.wait_dma2 semaphore(%run_scoped3A_30 : memref<!tpu.dma_semaphore, #tpu.memory_space<semaphore_mem>>) src(%dma_wait3A_32 : memref<10000xi32, #tpu.memory_space<hbm>>) dst(%arg4 : memref<10000xi32, #tpu.memory_space<vmem>>)
      tpu.yield
    }) : () -> ()
    %broadcast_in_dim3A = arith.constant 0.000000e+00 : f32
    %broadcast_in_dim3A_5 = vector.broadcast %broadcast_in_dim3A : f32 to vector<16xf32>
    %broadcast_in_dim3A_6 = arith.constant 1.000000e+00 : f32
    %broadcast_in_dim3A_7 = vector.broadcast %broadcast_in_dim3A_6 : f32 to vector<16xf32>
    %scan3A = arith.constant 0 : i32
    %scan3A_8 = arith.constant 0 : i32
    %scan3A_9 = arith.constant 640 : i32
    %scan3A_10 = arith.addi %scan3A_8, %scan3A_9 : i32
    %scan3A_11 = arith.constant 1 : i32
    %scan3A_12 = scf.for %scan3A_30 = %scan3A_8 to %scan3A_10 step %scan3A_11 iter_args(%scan3A_31 = %scan3A) -> (i32)  : i32 {
      %mul3A_32 = arith.constant 16 : i32
      %mul3A_33 = arith.muli %scan3A_30, %mul3A_32 : i32
      %swap3A = arith.index_cast %mul3A_33 : i32 to index
      %swap3A_34 = tpu.vector_load %arg5[%swap3A] {strides = array<i32>} : memref<10240xf32, #tpu.memory_space<vmem>>, vector<16xf32>,
      tpu.vector_store %arg5[%swap3A], %broadcast_in_dim3A_5 {strides = array<i32>} : memref<10240xf32, #tpu.memory_space<vmem>>, vector<16xf32>,
      %scan3A_35 = arith.constant 0 : i32
      scf.yield %scan3A_35 : i32
    }
    %scan3A_13 = arith.constant 640 : i32
    %scan3A_14 = arith.constant 0 : i32
    %scan3A_15 = arith.constant 0 : i32
    %scan3A_16 = arith.constant 625 : i32
    %scan3A_17 = arith.addi %scan3A_15, %scan3A_16 : i32
    %scan3A_18 = arith.constant 1 : i32
    %scan3A_19 = scf.for %scan3A_30 = %scan3A_15 to %scan3A_17 step %scan3A_18 iter_args(%scan3A_31 = %scan3A_14) -> (i32)  : i32 {
      %mul3A_32 = arith.constant 16 : i32
      %mul3A_33 = arith.muli %scan3A_30, %mul3A_32 : i32
      %get3A = arith.index_cast %mul3A_33 : i32 to index
      %get3A_34 = tpu.vector_load %arg4[%get3A] {strides = array<i32>} : memref<10000xi32, #tpu.memory_space<vmem>>, vector<16xi32>,
      tpu.vector_store_idx %arg5[%get3A_34], %broadcast_in_dim3A_7 {add = true} : memref<10240xf32, #tpu.memory_space<vmem>>[vector<16xi32>], vector<16xf32>,
      %scan3A_35 = arith.constant 0 : i32
      scf.yield %scan3A_35 : i32
    }
    %scan3A_20 = arith.constant 625 : i32
    "tpu.region"() ({
      %run_scoped3A_30 = tpu.sem_alloc : memref<!tpu.dma_semaphore, #tpu.memory_space<semaphore_mem>>
      %dma_start3A = arith.constant 0 : i32
      %dma_start3A_31 = tpu.memref_slice %arg7[%arg1, %dma_start3A] : memref<16x10240xf32, #tpu.memory_space<vmem_shared>> -> memref<1x10240xf32, #tpu.memory_space<vmem_shared>>
      %dma_start3A_32 = tpu.memref_squeeze %dma_start3A_31 : memref<1x10240xf32, #tpu.memory_space<vmem_shared>> -> memref<10240xf32, #tpu.memory_space<vmem_shared>>
      %dma_start3A_33 = arith.constant 0 : i32
      %dma_start3A_34 = tpu.memref_slice %arg7[%arg1, %dma_start3A_33] : memref<16x10240xf32, #tpu.memory_space<vmem_shared>> -> memref<1x10240xf32, #tpu.memory_space<vmem_shared>>
      %dma_start3A_35 = tpu.memref_squeeze %dma_start3A_34 : memref<1x10240xf32, #tpu.memory_space<vmem_shared>> -> memref<10240xf32, #tpu.memory_space<vmem_shared>>
      tpu.enqueue_dma source(%arg5 : memref<10240xf32, #tpu.memory_space<vmem>>) target(%dma_start3A_35 : memref<10240xf32, #tpu.memory_space<vmem_shared>>) target_semaphore(%run_scoped3A_30 : memref<!tpu.dma_semaphore, #tpu.memory_space<semaphore_mem>>)
      %dma_wait3A = arith.constant 0 : i32
      %dma_wait3A_36 = tpu.memref_slice %arg7[%arg1, %dma_wait3A] : memref<16x10240xf32, #tpu.memory_space<vmem_shared>> -> memref<1x10240xf32, #tpu.memory_space<vmem_shared>>
      %dma_wait3A_37 = tpu.memref_squeeze %dma_wait3A_36 : memref<1x10240xf32, #tpu.memory_space<vmem_shared>> -> memref<10240xf32, #tpu.memory_space<vmem_shared>>
      %dma_wait3A_38 = arith.constant 0 : i32
      %dma_wait3A_39 = tpu.memref_slice %arg7[%arg1, %dma_wait3A_38] : memref<16x10240xf32, #tpu.memory_space<vmem_shared>> -> memref<1x10240xf32, #tpu.memory_space<vmem_shared>>
      %dma_wait3A_40 = tpu.memref_squeeze %dma_wait3A_39 : memref<1x10240xf32, #tpu.memory_space<vmem_shared>> -> memref<10240xf32, #tpu.memory_space<vmem_shared>>
      tpu.wait_dma2 semaphore(%run_scoped3A_30 : memref<!tpu.dma_semaphore, #tpu.memory_space<semaphore_mem>>) src(%arg5 : memref<10240xf32, #tpu.memory_space<vmem>>) dst(%dma_wait3A_40 : memref<10240xf32, #tpu.memory_space<vmem_shared>>)
      tpu.yield
    }) : () -> ()
    %barrier3A = arith.constant 0 : index
    tpu.barrier barrier_id(%barrier3A)
    %mul3A_21 = arith.constant 640 : i32
    %mul3A_22 = arith.muli %arg1, %mul3A_21 : i32
    "tpu.region"() ({
      %run_scoped3A_30 = tpu.sem_alloc : memref<!tpu.dma_semaphore, #tpu.memory_space<semaphore_mem>>
      %dma_start3A = arith.constant 0 : i32
      %dma_start3A_31 = tpu.memref_slice %arg7[%dma_start3A, %mul3A_22] : memref<16x10240xf32, #tpu.memory_space<vmem_shared>> -> memref<16x640xf32, #tpu.memory_space<vmem_shared>>
      %dma_start3A_32 = arith.constant 0 : i32
      %dma_start3A_33 = tpu.memref_slice %arg7[%dma_start3A_32, %mul3A_22] : memref<16x10240xf32, #tpu.memory_space<vmem_shared>> -> memref<16x640xf32, #tpu.memory_space<vmem_shared>>
      tpu.enqueue_dma source(%dma_start3A_33 : memref<16x640xf32, #tpu.memory_space<vmem_shared>>) target(%arg6 : memref<16x640xf32, #tpu.memory_space<vmem>>) target_semaphore(%run_scoped3A_30 : memref<!tpu.dma_semaphore, #tpu.memory_space<semaphore_mem>>)
      %dma_wait3A = arith.constant 0 : i32
      %dma_wait3A_34 = tpu.memref_slice %arg7[%dma_wait3A, %mul3A_22] : memref<16x10240xf32, #tpu.memory_space<vmem_shared>> -> memref<16x640xf32, #tpu.memory_space<vmem_shared>>
      %dma_wait3A_35 = arith.constant 0 : i32
      %dma_wait3A_36 = tpu.memref_slice %arg7[%dma_wait3A_35, %mul3A_22] : memref<16x10240xf32, #tpu.memory_space<vmem_shared>> -> memref<16x640xf32, #tpu.memory_space<vmem_shared>>
      tpu.wait_dma2 semaphore(%run_scoped3A_30 : memref<!tpu.dma_semaphore, #tpu.memory_space<semaphore_mem>>) src(%dma_wait3A_36 : memref<16x640xf32, #tpu.memory_space<vmem_shared>>) dst(%arg6 : memref<16x640xf32, #tpu.memory_space<vmem>>)
      tpu.yield
    }) : () -> ()
    %scan3A_23 = arith.constant 0 : i32
    %scan3A_24 = arith.constant 0 : i32
    %scan3A_25 = arith.constant 40 : i32
    %scan3A_26 = arith.addi %scan3A_24, %scan3A_25 : i32
    %scan3A_27 = arith.constant 1 : i32
    %scan3A_28 = scf.for %scan3A_30 = %scan3A_24 to %scan3A_26 step %scan3A_27 iter_args(%scan3A_31 = %scan3A_23) -> (i32)  : i32 {
      %mul3A_32 = arith.constant 16 : i32
      %mul3A_33 = arith.muli %scan3A_30, %mul3A_32 : i32
      %get3A = arith.constant 0 : i32
      %get3A_34 = arith.index_cast %get3A : i32 to index
      %get3A_35 = arith.index_cast %mul3A_33 : i32 to index
      %get3A_36 = tpu.vector_load %arg6[%get3A_34, %get3A_35] {strides = array<i32>} : memref<16x640xf32, #tpu.memory_space<vmem>>, vector<16xf32>,
      %mul3A_37 = arith.constant 16 : i32
      %mul3A_38 = arith.muli %scan3A_30, %mul3A_37 : i32
      %get3A_39 = arith.constant 1 : i32
      %get3A_40 = arith.index_cast %get3A_39 : i32 to index
      %get3A_41 = arith.index_cast %mul3A_38 : i32 to index
      %get3A_42 = tpu.vector_load %arg6[%get3A_40, %get3A_41] {strides = array<i32>} : memref<16x640xf32, #tpu.memory_space<vmem>>, vector<16xf32>,
      %add3A_43 = arith.addf %get3A_36, %get3A_42 : vector<16xf32>
      %mul3A_44 = arith.constant 16 : i32
      %mul3A_45 = arith.muli %scan3A_30, %mul3A_44 : i32
      %get3A_46 = arith.constant 2 : i32
      %get3A_47 = arith.index_cast %get3A_46 : i32 to index
      %get3A_48 = arith.index_cast %mul3A_45 : i32 to index
      %get3A_49 = tpu.vector_load %arg6[%get3A_47, %get3A_48] {strides = array<i32>} : memref<16x640xf32, #tpu.memory_space<vmem>>, vector<16xf32>,
      %add3A_50 = arith.addf %add3A_43, %get3A_49 : vector<16xf32>
      %mul3A_51 = arith.constant 16 : i32
      %mul3A_52 = arith.muli %scan3A_30, %mul3A_51 : i32
      %get3A_53 = arith.constant 3 : i32
      %get3A_54 = arith.index_cast %get3A_53 : i32 to index
      %get3A_55 = arith.index_cast %mul3A_52 : i32 to index
      %get3A_56 = tpu.vector_load %arg6[%get3A_54, %get3A_55] {strides = array<i32>} : memref<16x640xf32, #tpu.memory_space<vmem>>, vector<16xf32>,
      %add3A_57 = arith.addf %add3A_50, %get3A_56 : vector<16xf32>
      %mul3A_58 = arith.constant 16 : i32
      %mul3A_59 = arith.muli %scan3A_30, %mul3A_58 : i32
      %get3A_60 = arith.constant 4 : i32
      %get3A_61 = arith.index_cast %get3A_60 : i32 to index
      %get3A_62 = arith.index_cast %mul3A_59 : i32 to index
      %get3A_63 = tpu.vector_load %arg6[%get3A_61, %get3A_62] {strides = array<i32>} : memref<16x640xf32, #tpu.memory_space<vmem>>, vector<16xf32>,
      %add3A_64 = arith.addf %add3A_57, %get3A_63 : vector<16xf32>
      %mul3A_65 = arith.constant 16 : i32
      %mul3A_66 = arith.muli %scan3A_30, %mul3A_65 : i32
      %get3A_67 = arith.constant 5 : i32
      %get3A_68 = arith.index_cast %get3A_67 : i32 to index
      %get3A_69 = arith.index_cast %mul3A_66 : i32 to index
      %get3A_70 = tpu.vector_load %arg6[%get3A_68, %get3A_69] {strides = array<i32>} : memref<16x640xf32, #tpu.memory_space<vmem>>, vector<16xf32>,
      %add3A_71 = arith.addf %add3A_64, %get3A_70 : vector<16xf32>
      %mul3A_72 = arith.constant 16 : i32
      %mul3A_73 = arith.muli %scan3A_30, %mul3A_72 : i32
      %get3A_74 = arith.constant 6 : i32
      %get3A_75 = arith.index_cast %get3A_74 : i32 to index
      %get3A_76 = arith.index_cast %mul3A_73 : i32 to index
      %get3A_77 = tpu.vector_load %arg6[%get3A_75, %get3A_76] {strides = array<i32>} : memref<16x640xf32, #tpu.memory_space<vmem>>, vector<16xf32>,
      %add3A_78 = arith.addf %add3A_71, %get3A_77 : vector<16xf32>
      %mul3A_79 = arith.constant 16 : i32
      %mul3A_80 = arith.muli %scan3A_30, %mul3A_79 : i32
      %get3A_81 = arith.constant 7 : i32
      %get3A_82 = arith.index_cast %get3A_81 : i32 to index
      %get3A_83 = arith.index_cast %mul3A_80 : i32 to index
      %get3A_84 = tpu.vector_load %arg6[%get3A_82, %get3A_83] {strides = array<i32>} : memref<16x640xf32, #tpu.memory_space<vmem>>, vector<16xf32>,
      %add3A_85 = arith.addf %add3A_78, %get3A_84 : vector<16xf32>
      %mul3A_86 = arith.constant 16 : i32
      %mul3A_87 = arith.muli %scan3A_30, %mul3A_86 : i32
      %get3A_88 = arith.constant 8 : i32
      %get3A_89 = arith.index_cast %get3A_88 : i32 to index
      %get3A_90 = arith.index_cast %mul3A_87 : i32 to index
      %get3A_91 = tpu.vector_load %arg6[%get3A_89, %get3A_90] {strides = array<i32>} : memref<16x640xf32, #tpu.memory_space<vmem>>, vector<16xf32>,
      %add3A_92 = arith.addf %add3A_85, %get3A_91 : vector<16xf32>
      %mul3A_93 = arith.constant 16 : i32
      %mul3A_94 = arith.muli %scan3A_30, %mul3A_93 : i32
      %get3A_95 = arith.constant 9 : i32
      %get3A_96 = arith.index_cast %get3A_95 : i32 to index
      %get3A_97 = arith.index_cast %mul3A_94 : i32 to index
      %get3A_98 = tpu.vector_load %arg6[%get3A_96, %get3A_97] {strides = array<i32>} : memref<16x640xf32, #tpu.memory_space<vmem>>, vector<16xf32>,
      %add3A_99 = arith.addf %add3A_92, %get3A_98 : vector<16xf32>
      %mul3A_100 = arith.constant 16 : i32
      %mul3A_101 = arith.muli %scan3A_30, %mul3A_100 : i32
      %get3A_102 = arith.constant 10 : i32
      %get3A_103 = arith.index_cast %get3A_102 : i32 to index
      %get3A_104 = arith.index_cast %mul3A_101 : i32 to index
      %get3A_105 = tpu.vector_load %arg6[%get3A_103, %get3A_104] {strides = array<i32>} : memref<16x640xf32, #tpu.memory_space<vmem>>, vector<16xf32>,
      %add3A_106 = arith.addf %add3A_99, %get3A_105 : vector<16xf32>
      %mul3A_107 = arith.constant 16 : i32
      %mul3A_108 = arith.muli %scan3A_30, %mul3A_107 : i32
      %get3A_109 = arith.constant 11 : i32
      %get3A_110 = arith.index_cast %get3A_109 : i32 to index
      %get3A_111 = arith.index_cast %mul3A_108 : i32 to index
      %get3A_112 = tpu.vector_load %arg6[%get3A_110, %get3A_111] {strides = array<i32>} : memref<16x640xf32, #tpu.memory_space<vmem>>, vector<16xf32>,
      %add3A_113 = arith.addf %add3A_106, %get3A_112 : vector<16xf32>
      %mul3A_114 = arith.constant 16 : i32
      %mul3A_115 = arith.muli %scan3A_30, %mul3A_114 : i32
      %get3A_116 = arith.constant 12 : i32
      %get3A_117 = arith.index_cast %get3A_116 : i32 to index
      %get3A_118 = arith.index_cast %mul3A_115 : i32 to index
      %get3A_119 = tpu.vector_load %arg6[%get3A_117, %get3A_118] {strides = array<i32>} : memref<16x640xf32, #tpu.memory_space<vmem>>, vector<16xf32>,
      %add3A_120 = arith.addf %add3A_113, %get3A_119 : vector<16xf32>
      %mul3A_121 = arith.constant 16 : i32
      %mul3A_122 = arith.muli %scan3A_30, %mul3A_121 : i32
      %get3A_123 = arith.constant 13 : i32
      %get3A_124 = arith.index_cast %get3A_123 : i32 to index
      %get3A_125 = arith.index_cast %mul3A_122 : i32 to index
      %get3A_126 = tpu.vector_load %arg6[%get3A_124, %get3A_125] {strides = array<i32>} : memref<16x640xf32, #tpu.memory_space<vmem>>, vector<16xf32>,
      %add3A_127 = arith.addf %add3A_120, %get3A_126 : vector<16xf32>
      %mul3A_128 = arith.constant 16 : i32
      %mul3A_129 = arith.muli %scan3A_30, %mul3A_128 : i32
      %get3A_130 = arith.constant 14 : i32
      %get3A_131 = arith.index_cast %get3A_130 : i32 to index
      %get3A_132 = arith.index_cast %mul3A_129 : i32 to index
      %get3A_133 = tpu.vector_load %arg6[%get3A_131, %get3A_132] {strides = array<i32>} : memref<16x640xf32, #tpu.memory_space<vmem>>, vector<16xf32>,
      %add3A_134 = arith.addf %add3A_127, %get3A_133 : vector<16xf32>
      %mul3A_135 = arith.constant 16 : i32
      %mul3A_136 = arith.muli %scan3A_30, %mul3A_135 : i32
      %get3A_137 = arith.constant 15 : i32
      %get3A_138 = arith.index_cast %get3A_137 : i32 to index
      %get3A_139 = arith.index_cast %mul3A_136 : i32 to index
      %get3A_140 = tpu.vector_load %arg6[%get3A_138, %get3A_139] {strides = array<i32>} : memref<16x640xf32, #tpu.memory_space<vmem>>, vector<16xf32>,
      %add3A_141 = arith.addf %add3A_134, %get3A_140 : vector<16xf32>
      %mul3A_142 = arith.constant 16 : i32
      %mul3A_143 = arith.muli %scan3A_30, %mul3A_142 : i32
      %swap3A = arith.constant 0 : i32
      %swap3A_144 = arith.index_cast %swap3A : i32 to index
      %swap3A_145 = arith.index_cast %mul3A_143 : i32 to index
      %swap3A_146 = tpu.vector_load %arg6[%swap3A_144, %swap3A_145] {strides = array<i32>} : memref<16x640xf32, #tpu.memory_space<vmem>>, vector<16xf32>,
      tpu.vector_store %arg6[%swap3A_144, %swap3A_145], %add3A_141 {strides = array<i32>} : memref<16x640xf32, #tpu.memory_space<vmem>>, vector<16xf32>,
      %scan3A_147 = arith.constant 0 : i32
      scf.yield %scan3A_147 : i32
    }
    %scan3A_29 = arith.constant 40 : i32
    %run_scoped3A = arith.constant 0 : i32
    "tpu.region"() ({
      %run_scoped3A_30 = tpu.sem_alloc : memref<!tpu.dma_semaphore, #tpu.memory_space<semaphore_mem>>
      %dma_start3A = arith.constant 0 : i32
      %dma_start3A_31 = tpu.memref_slice %arg6[%run_scoped3A, %dma_start3A] : memref<16x640xf32, #tpu.memory_space<vmem>> -> memref<1x640xf32, #tpu.memory_space<vmem>>
      %dma_start3A_32 = tpu.memref_squeeze %dma_start3A_31 : memref<1x640xf32, #tpu.memory_space<vmem>> -> memref<640xf32, #tpu.memory_space<vmem>>
      %dma_start3A_33 = tpu.memref_slice %arg3[%arg0, %mul3A_22] : memref<2x10240xf32, #tpu.memory_space<hbm>> -> memref<1x640xf32, #tpu.memory_space<hbm>>
      %dma_start3A_34 = tpu.memref_squeeze %dma_start3A_33 : memref<1x640xf32, #tpu.memory_space<hbm>> -> memref<640xf32, #tpu.memory_space<hbm>>
      %dma_start3A_35 = tpu.memref_slice %arg3[%arg0, %mul3A_22] : memref<2x10240xf32, #tpu.memory_space<hbm>> -> memref<1x640xf32, #tpu.memory_space<hbm>>
      %dma_start3A_36 = tpu.memref_squeeze %dma_start3A_35 : memref<1x640xf32, #tpu.memory_space<hbm>> -> memref<640xf32, #tpu.memory_space<hbm>>
      %dma_start3A_37 = arith.constant 0 : i32
      %dma_start3A_38 = tpu.memref_slice %arg6[%run_scoped3A, %dma_start3A_37] : memref<16x640xf32, #tpu.memory_space<vmem>> -> memref<1x640xf32, #tpu.memory_space<vmem>>
      %dma_start3A_39 = tpu.memref_squeeze %dma_start3A_38 : memref<1x640xf32, #tpu.memory_space<vmem>> -> memref<640xf32, #tpu.memory_space<vmem>>
      tpu.enqueue_dma source(%dma_start3A_39 : memref<640xf32, #tpu.memory_space<vmem>>) target(%dma_start3A_36 : memref<640xf32, #tpu.memory_space<hbm>>) target_semaphore(%run_scoped3A_30 : memref<!tpu.dma_semaphore, #tpu.memory_space<semaphore_mem>>)
      %dma_wait3A = arith.constant 0 : i32
      %dma_wait3A_40 = tpu.memref_slice %arg6[%run_scoped3A, %dma_wait3A] : memref<16x640xf32, #tpu.memory_space<vmem>> -> memref<1x640xf32, #tpu.memory_space<vmem>>
      %dma_wait3A_41 = tpu.memref_squeeze %dma_wait3A_40 : memref<1x640xf32, #tpu.memory_space<vmem>> -> memref<640xf32, #tpu.memory_space<vmem>>
      %dma_wait3A_42 = tpu.memref_slice %arg3[%arg0, %mul3A_22] : memref<2x10240xf32, #tpu.memory_space<hbm>> -> memref<1x640xf32, #tpu.memory_space<hbm>>
      %dma_wait3A_43 = tpu.memref_squeeze %dma_wait3A_42 : memref<1x640xf32, #tpu.memory_space<hbm>> -> memref<640xf32, #tpu.memory_space<hbm>>
      %dma_wait3A_44 = tpu.memref_slice %arg3[%arg0, %mul3A_22] : memref<2x10240xf32, #tpu.memory_space<hbm>> -> memref<1x640xf32, #tpu.memory_space<hbm>>
      %dma_wait3A_45 = tpu.memref_squeeze %dma_wait3A_44 : memref<1x640xf32, #tpu.memory_space<hbm>> -> memref<640xf32, #tpu.memory_space<hbm>>
      %dma_wait3A_46 = arith.constant 0 : i32
      %dma_wait3A_47 = tpu.memref_slice %arg6[%run_scoped3A, %dma_wait3A_46] : memref<16x640xf32, #tpu.memory_space<vmem>> -> memref<1x640xf32, #tpu.memory_space<vmem>>
      %dma_wait3A_48 = tpu.memref_squeeze %dma_wait3A_47 : memref<1x640xf32, #tpu.memory_space<vmem>> -> memref<640xf32, #tpu.memory_space<vmem>>
      tpu.wait_dma2 semaphore(%run_scoped3A_30 : memref<!tpu.dma_semaphore, #tpu.memory_space<semaphore_mem>>) src(%dma_wait3A_48 : memref<640xf32, #tpu.memory_space<vmem>>) dst(%dma_wait3A_45 : memref<640xf32, #tpu.memory_space<hbm>>)
      tpu.yield
    }) : () -> ()
    return
  }
}

#map = affine_map<(d0, d1) -> (0)>
#map1 = affine_map<(d0, d1) -> (0, 0)>
module attributes {stable_mosaic.version = 14 : i64} {
  func.func @body(%arg0: i32, %arg1: i32, %arg2: memref<640000xi32, #tpu.memory_space<hbm>>, %arg3: memref<10240xf32, #tpu.memory_space<hbm>>, %arg4: memref<2x10240xf32, #tpu.memory_space<hbm>>, %arg5: memref<10000xi32, #tpu.memory_space<vmem>>, %arg6: memref<10000xi32, #tpu.memory_space<vmem>>, %arg7: memref<10240xf32, #tpu.memory_space<vmem>>, %arg8: memref<10240xf32, #tpu.memory_space<vmem>>, %arg9: memref<16x640xf32, #tpu.memory_space<vmem>>, %arg10: memref<16x10240xf32, #tpu.memory_space<vmem_shared>>) attributes {dimension_semantics = [#tpu.dimension_semantics<core_parallel>, #tpu.dimension_semantics<subcore_parallel>], iteration_bounds = array<i64: 2, 16>, scalar_prefetch = 0 : i64, scratch_operands = 6 : i64, tpu.core_type = #tpu.core_type<sc_vector_subcore>, window_params = [{transform_indices = #map}, {transform_indices = #map}, {transform_indices = #map1}]} {
    %mul3A = arith.constant 16 : i32
    %mul3A_0 = arith.muli %arg0, %mul3A : i32
    %add3A = arith.addi %mul3A_0, %arg1 : i32
    %mul3A_1 = arith.constant 10000 : i32
    %mul3A_2 = arith.muli %add3A, %mul3A_1 : i32
    "tpu.region"() ({
      %run_scoped3A_30 = tpu.sem_alloc : memref<!tpu.dma_semaphore, #tpu.memory_space<semaphore_mem>>
      %dma_start3A = tpu.memref_slice %arg2[%mul3A_2] : memref<640000xi32, #tpu.memory_space<hbm>> -> memref<10000xi32, #tpu.memory_space<hbm>>
      %dma_start3A_31 = tpu.memref_slice %arg2[%mul3A_2] : memref<640000xi32, #tpu.memory_space<hbm>> -> memref<10000xi32, #tpu.memory_space<hbm>>
      tpu.enqueue_dma source(%dma_start3A_31 : memref<10000xi32, #tpu.memory_space<hbm>>) target(%arg5 : memref<10000xi32, #tpu.memory_space<vmem>>) target_semaphore(%run_scoped3A_30 : memref<!tpu.dma_semaphore, #tpu.memory_space<semaphore_mem>>)
      %dma_wait3A = tpu.memref_slice %arg2[%mul3A_2] : memref<640000xi32, #tpu.memory_space<hbm>> -> memref<10000xi32, #tpu.memory_space<hbm>>
      %dma_wait3A_32 = tpu.memref_slice %arg2[%mul3A_2] : memref<640000xi32, #tpu.memory_space<hbm>> -> memref<10000xi32, #tpu.memory_space<hbm>>
      tpu.wait_dma2 semaphore(%run_scoped3A_30 : memref<!tpu.dma_semaphore, #tpu.memory_space<semaphore_mem>>) src(%dma_wait3A_32 : memref<10000xi32, #tpu.memory_space<hbm>>) dst(%arg5 : memref<10000xi32, #tpu.memory_space<vmem>>)
      tpu.yield
    }) : () -> ()
    %mul3A_3 = arith.constant 10000 : i32
    %mul3A_4 = arith.muli %add3A, %mul3A_3 : i32
    %add3A_5 = arith.constant 320000 : i32
    %add3A_6 = arith.addi %add3A_5, %mul3A_4 : i32
    "tpu.region"() ({
      %run_scoped3A_30 = tpu.sem_alloc : memref<!tpu.dma_semaphore, #tpu.memory_space<semaphore_mem>>
      %dma_start3A = tpu.memref_slice %arg2[%add3A_6] : memref<640000xi32, #tpu.memory_space<hbm>> -> memref<10000xi32, #tpu.memory_space<hbm>>
      %dma_start3A_31 = tpu.memref_slice %arg2[%add3A_6] : memref<640000xi32, #tpu.memory_space<hbm>> -> memref<10000xi32, #tpu.memory_space<hbm>>
      tpu.enqueue_dma source(%dma_start3A_31 : memref<10000xi32, #tpu.memory_space<hbm>>) target(%arg6 : memref<10000xi32, #tpu.memory_space<vmem>>) target_semaphore(%run_scoped3A_30 : memref<!tpu.dma_semaphore, #tpu.memory_space<semaphore_mem>>)
      %dma_wait3A = tpu.memref_slice %arg2[%add3A_6] : memref<640000xi32, #tpu.memory_space<hbm>> -> memref<10000xi32, #tpu.memory_space<hbm>>
      %dma_wait3A_32 = tpu.memref_slice %arg2[%add3A_6] : memref<640000xi32, #tpu.memory_space<hbm>> -> memref<10000xi32, #tpu.memory_space<hbm>>
      tpu.wait_dma2 semaphore(%run_scoped3A_30 : memref<!tpu.dma_semaphore, #tpu.memory_space<semaphore_mem>>) src(%dma_wait3A_32 : memref<10000xi32, #tpu.memory_space<hbm>>) dst(%arg6 : memref<10000xi32, #tpu.memory_space<vmem>>)
      tpu.yield
    }) : () -> ()
    "tpu.region"() ({
      %run_scoped3A_30 = tpu.sem_alloc : memref<!tpu.dma_semaphore, #tpu.memory_space<semaphore_mem>>
      tpu.enqueue_dma source(%arg3 : memref<10240xf32, #tpu.memory_space<hbm>>) target(%arg7 : memref<10240xf32, #tpu.memory_space<vmem>>) target_semaphore(%run_scoped3A_30 : memref<!tpu.dma_semaphore, #tpu.memory_space<semaphore_mem>>)
      tpu.wait_dma2 semaphore(%run_scoped3A_30 : memref<!tpu.dma_semaphore, #tpu.memory_space<semaphore_mem>>) src(%arg3 : memref<10240xf32, #tpu.memory_space<hbm>>) dst(%arg7 : memref<10240xf32, #tpu.memory_space<vmem>>)
      tpu.yield
    }) : () -> ()
    %broadcast_in_dim3A = arith.constant 0.000000e+00 : f32
    %broadcast_in_dim3A_7 = vector.broadcast %broadcast_in_dim3A : f32 to vector<16xf32>
    %scan3A = arith.constant 0 : i32
    %scan3A_8 = arith.constant 0 : i32
    %scan3A_9 = arith.constant 640 : i32
    %scan3A_10 = arith.addi %scan3A_8, %scan3A_9 : i32
    %scan3A_11 = arith.constant 1 : i32
    %scan3A_12 = scf.for %scan3A_30 = %scan3A_8 to %scan3A_10 step %scan3A_11 iter_args(%scan3A_31 = %scan3A) -> (i32)  : i32 {
      %mul3A_32 = arith.constant 16 : i32
      %mul3A_33 = arith.muli %scan3A_30, %mul3A_32 : i32
      %swap3A = arith.index_cast %mul3A_33 : i32 to index
      %swap3A_34 = tpu.vector_load %arg8[%swap3A] {strides = array<i32>} : memref<10240xf32, #tpu.memory_space<vmem>>, vector<16xf32>,
      tpu.vector_store %arg8[%swap3A], %broadcast_in_dim3A_7 {strides = array<i32>} : memref<10240xf32, #tpu.memory_space<vmem>>, vector<16xf32>,
      %scan3A_35 = arith.constant 0 : i32
      scf.yield %scan3A_35 : i32
    }
    %scan3A_13 = arith.constant 640 : i32
    %scan3A_14 = arith.constant 0 : i32
    %scan3A_15 = arith.constant 0 : i32
    %scan3A_16 = arith.constant 625 : i32
    %scan3A_17 = arith.addi %scan3A_15, %scan3A_16 : i32
    %scan3A_18 = arith.constant 1 : i32
    %scan3A_19 = scf.for %scan3A_30 = %scan3A_15 to %scan3A_17 step %scan3A_18 iter_args(%scan3A_31 = %scan3A_14) -> (i32)  : i32 {
      %mul3A_32 = arith.constant 16 : i32
      %mul3A_33 = arith.muli %scan3A_30, %mul3A_32 : i32
      %get3A = arith.index_cast %mul3A_33 : i32 to index
      %get3A_34 = tpu.vector_load %arg5[%get3A] {strides = array<i32>} : memref<10000xi32, #tpu.memory_space<vmem>>, vector<16xi32>,
      %mul3A_35 = arith.constant 16 : i32
      %mul3A_36 = arith.muli %scan3A_30, %mul3A_35 : i32
      %get3A_37 = arith.index_cast %mul3A_36 : i32 to index
      %get3A_38 = tpu.vector_load %arg6[%get3A_37] {strides = array<i32>} : memref<10000xi32, #tpu.memory_space<vmem>>, vector<16xi32>,
      %gather3A = tpu.vector_load_idx %arg7[%get3A_34] : memref<10240xf32, #tpu.memory_space<vmem>>[vector<16xi32>], vector<16xf32>,
      tpu.vector_store_idx %arg8[%get3A_38], %gather3A {add = true} : memref<10240xf32, #tpu.memory_space<vmem>>[vector<16xi32>], vector<16xf32>,
      %scan3A_39 = arith.constant 0 : i32
      scf.yield %scan3A_39 : i32
    }
    %scan3A_20 = arith.constant 625 : i32
    "tpu.region"() ({
      %run_scoped3A_30 = tpu.sem_alloc : memref<!tpu.dma_semaphore, #tpu.memory_space<semaphore_mem>>
      %dma_start3A = arith.constant 0 : i32
      %dma_start3A_31 = tpu.memref_slice %arg10[%arg1, %dma_start3A] : memref<16x10240xf32, #tpu.memory_space<vmem_shared>> -> memref<1x10240xf32, #tpu.memory_space<vmem_shared>>
      %dma_start3A_32 = tpu.memref_squeeze %dma_start3A_31 : memref<1x10240xf32, #tpu.memory_space<vmem_shared>> -> memref<10240xf32, #tpu.memory_space<vmem_shared>>
      %dma_start3A_33 = arith.constant 0 : i32
      %dma_start3A_34 = tpu.memref_slice %arg10[%arg1, %dma_start3A_33] : memref<16x10240xf32, #tpu.memory_space<vmem_shared>> -> memref<1x10240xf32, #tpu.memory_space<vmem_shared>>
      %dma_start3A_35 = tpu.memref_squeeze %dma_start3A_34 : memref<1x10240xf32, #tpu.memory_space<vmem_shared>> -> memref<10240xf32, #tpu.memory_space<vmem_shared>>
      tpu.enqueue_dma source(%arg8 : memref<10240xf32, #tpu.memory_space<vmem>>) target(%dma_start3A_35 : memref<10240xf32, #tpu.memory_space<vmem_shared>>) target_semaphore(%run_scoped3A_30 : memref<!tpu.dma_semaphore, #tpu.memory_space<semaphore_mem>>)
      %dma_wait3A = arith.constant 0 : i32
      %dma_wait3A_36 = tpu.memref_slice %arg10[%arg1, %dma_wait3A] : memref<16x10240xf32, #tpu.memory_space<vmem_shared>> -> memref<1x10240xf32, #tpu.memory_space<vmem_shared>>
      %dma_wait3A_37 = tpu.memref_squeeze %dma_wait3A_36 : memref<1x10240xf32, #tpu.memory_space<vmem_shared>> -> memref<10240xf32, #tpu.memory_space<vmem_shared>>
      %dma_wait3A_38 = arith.constant 0 : i32
      %dma_wait3A_39 = tpu.memref_slice %arg10[%arg1, %dma_wait3A_38] : memref<16x10240xf32, #tpu.memory_space<vmem_shared>> -> memref<1x10240xf32, #tpu.memory_space<vmem_shared>>
      %dma_wait3A_40 = tpu.memref_squeeze %dma_wait3A_39 : memref<1x10240xf32, #tpu.memory_space<vmem_shared>> -> memref<10240xf32, #tpu.memory_space<vmem_shared>>
      tpu.wait_dma2 semaphore(%run_scoped3A_30 : memref<!tpu.dma_semaphore, #tpu.memory_space<semaphore_mem>>) src(%arg8 : memref<10240xf32, #tpu.memory_space<vmem>>) dst(%dma_wait3A_40 : memref<10240xf32, #tpu.memory_space<vmem_shared>>)
      tpu.yield
    }) : () -> ()
    %barrier3A = arith.constant 0 : index
    tpu.barrier barrier_id(%barrier3A)
    %mul3A_21 = arith.constant 640 : i32
    %mul3A_22 = arith.muli %arg1, %mul3A_21 : i32
    "tpu.region"() ({
      %run_scoped3A_30 = tpu.sem_alloc : memref<!tpu.dma_semaphore, #tpu.memory_space<semaphore_mem>>
      %dma_start3A = arith.constant 0 : i32
      %dma_start3A_31 = tpu.memref_slice %arg10[%dma_start3A, %mul3A_22] : memref<16x10240xf32, #tpu.memory_space<vmem_shared>> -> memref<16x640xf32, #tpu.memory_space<vmem_shared>>
      %dma_start3A_32 = arith.constant 0 : i32
      %dma_start3A_33 = tpu.memref_slice %arg10[%dma_start3A_32, %mul3A_22] : memref<16x10240xf32, #tpu.memory_space<vmem_shared>> -> memref<16x640xf32, #tpu.memory_space<vmem_shared>>
      tpu.enqueue_dma source(%dma_start3A_33 : memref<16x640xf32, #tpu.memory_space<vmem_shared>>) target(%arg9 : memref<16x640xf32, #tpu.memory_space<vmem>>) target_semaphore(%run_scoped3A_30 : memref<!tpu.dma_semaphore, #tpu.memory_space<semaphore_mem>>)
      %dma_wait3A = arith.constant 0 : i32
      %dma_wait3A_34 = tpu.memref_slice %arg10[%dma_wait3A, %mul3A_22] : memref<16x10240xf32, #tpu.memory_space<vmem_shared>> -> memref<16x640xf32, #tpu.memory_space<vmem_shared>>
      %dma_wait3A_35 = arith.constant 0 : i32
      %dma_wait3A_36 = tpu.memref_slice %arg10[%dma_wait3A_35, %mul3A_22] : memref<16x10240xf32, #tpu.memory_space<vmem_shared>> -> memref<16x640xf32, #tpu.memory_space<vmem_shared>>
      tpu.wait_dma2 semaphore(%run_scoped3A_30 : memref<!tpu.dma_semaphore, #tpu.memory_space<semaphore_mem>>) src(%dma_wait3A_36 : memref<16x640xf32, #tpu.memory_space<vmem_shared>>) dst(%arg9 : memref<16x640xf32, #tpu.memory_space<vmem>>)
      tpu.yield
    }) : () -> ()
    %scan3A_23 = arith.constant 0 : i32
    %scan3A_24 = arith.constant 0 : i32
    %scan3A_25 = arith.constant 40 : i32
    %scan3A_26 = arith.addi %scan3A_24, %scan3A_25 : i32
    %scan3A_27 = arith.constant 1 : i32
    %scan3A_28 = scf.for %scan3A_30 = %scan3A_24 to %scan3A_26 step %scan3A_27 iter_args(%scan3A_31 = %scan3A_23) -> (i32)  : i32 {
      %mul3A_32 = arith.constant 16 : i32
      %mul3A_33 = arith.muli %scan3A_30, %mul3A_32 : i32
      %get3A = arith.constant 0 : i32
      %get3A_34 = arith.index_cast %get3A : i32 to index
      %get3A_35 = arith.index_cast %mul3A_33 : i32 to index
      %get3A_36 = tpu.vector_load %arg9[%get3A_34, %get3A_35] {strides = array<i32>} : memref<16x640xf32, #tpu.memory_space<vmem>>, vector<16xf32>,
      %mul3A_37 = arith.constant 16 : i32
      %mul3A_38 = arith.muli %scan3A_30, %mul3A_37 : i32
      %get3A_39 = arith.constant 1 : i32
      %get3A_40 = arith.index_cast %get3A_39 : i32 to index
      %get3A_41 = arith.index_cast %mul3A_38 : i32 to index
      %get3A_42 = tpu.vector_load %arg9[%get3A_40, %get3A_41] {strides = array<i32>} : memref<16x640xf32, #tpu.memory_space<vmem>>, vector<16xf32>,
      %add3A_43 = arith.addf %get3A_36, %get3A_42 : vector<16xf32>
      %mul3A_44 = arith.constant 16 : i32
      %mul3A_45 = arith.muli %scan3A_30, %mul3A_44 : i32
      %get3A_46 = arith.constant 2 : i32
      %get3A_47 = arith.index_cast %get3A_46 : i32 to index
      %get3A_48 = arith.index_cast %mul3A_45 : i32 to index
      %get3A_49 = tpu.vector_load %arg9[%get3A_47, %get3A_48] {strides = array<i32>} : memref<16x640xf32, #tpu.memory_space<vmem>>, vector<16xf32>,
      %add3A_50 = arith.addf %add3A_43, %get3A_49 : vector<16xf32>
      %mul3A_51 = arith.constant 16 : i32
      %mul3A_52 = arith.muli %scan3A_30, %mul3A_51 : i32
      %get3A_53 = arith.constant 3 : i32
      %get3A_54 = arith.index_cast %get3A_53 : i32 to index
      %get3A_55 = arith.index_cast %mul3A_52 : i32 to index
      %get3A_56 = tpu.vector_load %arg9[%get3A_54, %get3A_55] {strides = array<i32>} : memref<16x640xf32, #tpu.memory_space<vmem>>, vector<16xf32>,
      %add3A_57 = arith.addf %add3A_50, %get3A_56 : vector<16xf32>
      %mul3A_58 = arith.constant 16 : i32
      %mul3A_59 = arith.muli %scan3A_30, %mul3A_58 : i32
      %get3A_60 = arith.constant 4 : i32
      %get3A_61 = arith.index_cast %get3A_60 : i32 to index
      %get3A_62 = arith.index_cast %mul3A_59 : i32 to index
      %get3A_63 = tpu.vector_load %arg9[%get3A_61, %get3A_62] {strides = array<i32>} : memref<16x640xf32, #tpu.memory_space<vmem>>, vector<16xf32>,
      %add3A_64 = arith.addf %add3A_57, %get3A_63 : vector<16xf32>
      %mul3A_65 = arith.constant 16 : i32
      %mul3A_66 = arith.muli %scan3A_30, %mul3A_65 : i32
      %get3A_67 = arith.constant 5 : i32
      %get3A_68 = arith.index_cast %get3A_67 : i32 to index
      %get3A_69 = arith.index_cast %mul3A_66 : i32 to index
      %get3A_70 = tpu.vector_load %arg9[%get3A_68, %get3A_69] {strides = array<i32>} : memref<16x640xf32, #tpu.memory_space<vmem>>, vector<16xf32>,
      %add3A_71 = arith.addf %add3A_64, %get3A_70 : vector<16xf32>
      %mul3A_72 = arith.constant 16 : i32
      %mul3A_73 = arith.muli %scan3A_30, %mul3A_72 : i32
      %get3A_74 = arith.constant 6 : i32
      %get3A_75 = arith.index_cast %get3A_74 : i32 to index
      %get3A_76 = arith.index_cast %mul3A_73 : i32 to index
      %get3A_77 = tpu.vector_load %arg9[%get3A_75, %get3A_76] {strides = array<i32>} : memref<16x640xf32, #tpu.memory_space<vmem>>, vector<16xf32>,
      %add3A_78 = arith.addf %add3A_71, %get3A_77 : vector<16xf32>
      %mul3A_79 = arith.constant 16 : i32
      %mul3A_80 = arith.muli %scan3A_30, %mul3A_79 : i32
      %get3A_81 = arith.constant 7 : i32
      %get3A_82 = arith.index_cast %get3A_81 : i32 to index
      %get3A_83 = arith.index_cast %mul3A_80 : i32 to index
      %get3A_84 = tpu.vector_load %arg9[%get3A_82, %get3A_83] {strides = array<i32>} : memref<16x640xf32, #tpu.memory_space<vmem>>, vector<16xf32>,
      %add3A_85 = arith.addf %add3A_78, %get3A_84 : vector<16xf32>
      %mul3A_86 = arith.constant 16 : i32
      %mul3A_87 = arith.muli %scan3A_30, %mul3A_86 : i32
      %get3A_88 = arith.constant 8 : i32
      %get3A_89 = arith.index_cast %get3A_88 : i32 to index
      %get3A_90 = arith.index_cast %mul3A_87 : i32 to index
      %get3A_91 = tpu.vector_load %arg9[%get3A_89, %get3A_90] {strides = array<i32>} : memref<16x640xf32, #tpu.memory_space<vmem>>, vector<16xf32>,
      %add3A_92 = arith.addf %add3A_85, %get3A_91 : vector<16xf32>
      %mul3A_93 = arith.constant 16 : i32
      %mul3A_94 = arith.muli %scan3A_30, %mul3A_93 : i32
      %get3A_95 = arith.constant 9 : i32
      %get3A_96 = arith.index_cast %get3A_95 : i32 to index
      %get3A_97 = arith.index_cast %mul3A_94 : i32 to index
      %get3A_98 = tpu.vector_load %arg9[%get3A_96, %get3A_97] {strides = array<i32>} : memref<16x640xf32, #tpu.memory_space<vmem>>, vector<16xf32>,
      %add3A_99 = arith.addf %add3A_92, %get3A_98 : vector<16xf32>
      %mul3A_100 = arith.constant 16 : i32
      %mul3A_101 = arith.muli %scan3A_30, %mul3A_100 : i32
      %get3A_102 = arith.constant 10 : i32
      %get3A_103 = arith.index_cast %get3A_102 : i32 to index
      %get3A_104 = arith.index_cast %mul3A_101 : i32 to index
      %get3A_105 = tpu.vector_load %arg9[%get3A_103, %get3A_104] {strides = array<i32>} : memref<16x640xf32, #tpu.memory_space<vmem>>, vector<16xf32>,
      %add3A_106 = arith.addf %add3A_99, %get3A_105 : vector<16xf32>
      %mul3A_107 = arith.constant 16 : i32
      %mul3A_108 = arith.muli %scan3A_30, %mul3A_107 : i32
      %get3A_109 = arith.constant 11 : i32
      %get3A_110 = arith.index_cast %get3A_109 : i32 to index
      %get3A_111 = arith.index_cast %mul3A_108 : i32 to index
      %get3A_112 = tpu.vector_load %arg9[%get3A_110, %get3A_111] {strides = array<i32>} : memref<16x640xf32, #tpu.memory_space<vmem>>, vector<16xf32>,
      %add3A_113 = arith.addf %add3A_106, %get3A_112 : vector<16xf32>
      %mul3A_114 = arith.constant 16 : i32
      %mul3A_115 = arith.muli %scan3A_30, %mul3A_114 : i32
      %get3A_116 = arith.constant 12 : i32
      %get3A_117 = arith.index_cast %get3A_116 : i32 to index
      %get3A_118 = arith.index_cast %mul3A_115 : i32 to index
      %get3A_119 = tpu.vector_load %arg9[%get3A_117, %get3A_118] {strides = array<i32>} : memref<16x640xf32, #tpu.memory_space<vmem>>, vector<16xf32>,
      %add3A_120 = arith.addf %add3A_113, %get3A_119 : vector<16xf32>
      %mul3A_121 = arith.constant 16 : i32
      %mul3A_122 = arith.muli %scan3A_30, %mul3A_121 : i32
      %get3A_123 = arith.constant 13 : i32
      %get3A_124 = arith.index_cast %get3A_123 : i32 to index
      %get3A_125 = arith.index_cast %mul3A_122 : i32 to index
      %get3A_126 = tpu.vector_load %arg9[%get3A_124, %get3A_125] {strides = array<i32>} : memref<16x640xf32, #tpu.memory_space<vmem>>, vector<16xf32>,
      %add3A_127 = arith.addf %add3A_120, %get3A_126 : vector<16xf32>
      %mul3A_128 = arith.constant 16 : i32
      %mul3A_129 = arith.muli %scan3A_30, %mul3A_128 : i32
      %get3A_130 = arith.constant 14 : i32
      %get3A_131 = arith.index_cast %get3A_130 : i32 to index
      %get3A_132 = arith.index_cast %mul3A_129 : i32 to index
      %get3A_133 = tpu.vector_load %arg9[%get3A_131, %get3A_132] {strides = array<i32>} : memref<16x640xf32, #tpu.memory_space<vmem>>, vector<16xf32>,
      %add3A_134 = arith.addf %add3A_127, %get3A_133 : vector<16xf32>
      %mul3A_135 = arith.constant 16 : i32
      %mul3A_136 = arith.muli %scan3A_30, %mul3A_135 : i32
      %get3A_137 = arith.constant 15 : i32
      %get3A_138 = arith.index_cast %get3A_137 : i32 to index
      %get3A_139 = arith.index_cast %mul3A_136 : i32 to index
      %get3A_140 = tpu.vector_load %arg9[%get3A_138, %get3A_139] {strides = array<i32>} : memref<16x640xf32, #tpu.memory_space<vmem>>, vector<16xf32>,
      %add3A_141 = arith.addf %add3A_134, %get3A_140 : vector<16xf32>
      %mul3A_142 = arith.constant 16 : i32
      %mul3A_143 = arith.muli %scan3A_30, %mul3A_142 : i32
      %swap3A = arith.constant 0 : i32
      %swap3A_144 = arith.index_cast %swap3A : i32 to index
      %swap3A_145 = arith.index_cast %mul3A_143 : i32 to index
      %swap3A_146 = tpu.vector_load %arg9[%swap3A_144, %swap3A_145] {strides = array<i32>} : memref<16x640xf32, #tpu.memory_space<vmem>>, vector<16xf32>,
      tpu.vector_store %arg9[%swap3A_144, %swap3A_145], %add3A_141 {strides = array<i32>} : memref<16x640xf32, #tpu.memory_space<vmem>>, vector<16xf32>,
      %scan3A_147 = arith.constant 0 : i32
      scf.yield %scan3A_147 : i32
    }
    %scan3A_29 = arith.constant 40 : i32
    %run_scoped3A = arith.constant 0 : i32
    "tpu.region"() ({
      %run_scoped3A_30 = tpu.sem_alloc : memref<!tpu.dma_semaphore, #tpu.memory_space<semaphore_mem>>
      %dma_start3A = arith.constant 0 : i32
      %dma_start3A_31 = tpu.memref_slice %arg9[%run_scoped3A, %dma_start3A] : memref<16x640xf32, #tpu.memory_space<vmem>> -> memref<1x640xf32, #tpu.memory_space<vmem>>
      %dma_start3A_32 = tpu.memref_squeeze %dma_start3A_31 : memref<1x640xf32, #tpu.memory_space<vmem>> -> memref<640xf32, #tpu.memory_space<vmem>>
      %dma_start3A_33 = tpu.memref_slice %arg4[%arg0, %mul3A_22] : memref<2x10240xf32, #tpu.memory_space<hbm>> -> memref<1x640xf32, #tpu.memory_space<hbm>>
      %dma_start3A_34 = tpu.memref_squeeze %dma_start3A_33 : memref<1x640xf32, #tpu.memory_space<hbm>> -> memref<640xf32, #tpu.memory_space<hbm>>
      %dma_start3A_35 = tpu.memref_slice %arg4[%arg0, %mul3A_22] : memref<2x10240xf32, #tpu.memory_space<hbm>> -> memref<1x640xf32, #tpu.memory_space<hbm>>
      %dma_start3A_36 = tpu.memref_squeeze %dma_start3A_35 : memref<1x640xf32, #tpu.memory_space<hbm>> -> memref<640xf32, #tpu.memory_space<hbm>>
      %dma_start3A_37 = arith.constant 0 : i32
      %dma_start3A_38 = tpu.memref_slice %arg9[%run_scoped3A, %dma_start3A_37] : memref<16x640xf32, #tpu.memory_space<vmem>> -> memref<1x640xf32, #tpu.memory_space<vmem>>
      %dma_start3A_39 = tpu.memref_squeeze %dma_start3A_38 : memref<1x640xf32, #tpu.memory_space<vmem>> -> memref<640xf32, #tpu.memory_space<vmem>>
      tpu.enqueue_dma source(%dma_start3A_39 : memref<640xf32, #tpu.memory_space<vmem>>) target(%dma_start3A_36 : memref<640xf32, #tpu.memory_space<hbm>>) target_semaphore(%run_scoped3A_30 : memref<!tpu.dma_semaphore, #tpu.memory_space<semaphore_mem>>)
      %dma_wait3A = arith.constant 0 : i32
      %dma_wait3A_40 = tpu.memref_slice %arg9[%run_scoped3A, %dma_wait3A] : memref<16x640xf32, #tpu.memory_space<vmem>> -> memref<1x640xf32, #tpu.memory_space<vmem>>
      %dma_wait3A_41 = tpu.memref_squeeze %dma_wait3A_40 : memref<1x640xf32, #tpu.memory_space<vmem>> -> memref<640xf32, #tpu.memory_space<vmem>>
      %dma_wait3A_42 = tpu.memref_slice %arg4[%arg0, %mul3A_22] : memref<2x10240xf32, #tpu.memory_space<hbm>> -> memref<1x640xf32, #tpu.memory_space<hbm>>
      %dma_wait3A_43 = tpu.memref_squeeze %dma_wait3A_42 : memref<1x640xf32, #tpu.memory_space<hbm>> -> memref<640xf32, #tpu.memory_space<hbm>>
      %dma_wait3A_44 = tpu.memref_slice %arg4[%arg0, %mul3A_22] : memref<2x10240xf32, #tpu.memory_space<hbm>> -> memref<1x640xf32, #tpu.memory_space<hbm>>
      %dma_wait3A_45 = tpu.memref_squeeze %dma_wait3A_44 : memref<1x640xf32, #tpu.memory_space<hbm>> -> memref<640xf32, #tpu.memory_space<hbm>>
      %dma_wait3A_46 = arith.constant 0 : i32
      %dma_wait3A_47 = tpu.memref_slice %arg9[%run_scoped3A, %dma_wait3A_46] : memref<16x640xf32, #tpu.memory_space<vmem>> -> memref<1x640xf32, #tpu.memory_space<vmem>>
      %dma_wait3A_48 = tpu.memref_squeeze %dma_wait3A_47 : memref<1x640xf32, #tpu.memory_space<vmem>> -> memref<640xf32, #tpu.memory_space<vmem>>
      tpu.wait_dma2 semaphore(%run_scoped3A_30 : memref<!tpu.dma_semaphore, #tpu.memory_space<semaphore_mem>>) src(%dma_wait3A_48 : memref<640xf32, #tpu.memory_space<vmem>>) dst(%dma_wait3A_45 : memref<640xf32, #tpu.memory_space<hbm>>)
      tpu.yield
    }) : () -> ()
    return
  }
}

module attributes {stable_mosaic.version = 14 : i64} {
  func.func @_meta_tc_body(%arg0: memref<80x128xi32, #tpu.memory_space<vmem>>, %arg1: memref<80x8xi32, #tpu.memory_space<vmem>>) attributes {dimension_semantics = [], scalar_prefetch = 0 : i64, scratch_operands = 0 : i64, tpu.core_type = #tpu.core_type<tc>} {
    %get3A = arith.constant 0 : index
    %get3A_0 = arith.constant 0 : index
    %get3A_1 = vector.load %arg0[%get3A, %get3A_0] : memref<80x128xi32, #tpu.memory_space<vmem>>, vector<80x128xi32>
    %min3A = arith.constant 15 : i32
    %min3A_2 = vector.broadcast %min3A : i32 to vector<80x128xi32>
    %min3A_3 = arith.minsi %get3A_1, %min3A_2 : vector<80x128xi32>
    %reduce_min3A = arith.constant dense<2147483647> : vector<80xi32>
    %reduce_min3A_4 = vector.multi_reduction <minsi>, %min3A_3, %reduce_min3A [1] : vector<80x128xi32> to vector<80xi32>
    %broadcast_in_dim3A = vector.shape_cast %reduce_min3A_4 : vector<80xi32> to vector<80x1xi32>
    %reduce_max3A = arith.constant dense<-2147483648> : vector<80xi32>
    %reduce_max3A_5 = vector.multi_reduction <maxsi>, %min3A_3, %reduce_max3A [1] : vector<80x128xi32> to vector<80xi32>
    %broadcast_in_dim3A_6 = vector.shape_cast %reduce_max3A_5 : vector<80xi32> to vector<80x1xi32>
    %reshape3A = vector.shape_cast %get3A_1 : vector<80x128xi32> to vector<1x10240xi32>
    %iota3A = tpu.iota {dimensions = array<i32: 0>} : vector<16x1xi32>
    %eq3A = vector.broadcast %reshape3A : vector<1x10240xi32> to vector<16x10240xi32>
    %eq3A_7 = vector.broadcast %iota3A : vector<16x1xi32> to vector<16x10240xi32>
    %eq3A_8 = arith.cmpi eq, %eq3A, %eq3A_7 : vector<16x10240xi32>
    %jit3A = arith.constant 1.000000e+00 : f32
    %jit3A_9 = arith.constant 0.000000e+00 : f32
    %broadcast_in_dim3A_10 = vector.broadcast %jit3A : f32 to vector<16x10240xf32>
    %broadcast_in_dim3A_11 = vector.broadcast %jit3A_9 : f32 to vector<16x10240xf32>
    %select_n3A = arith.select %eq3A_8, %broadcast_in_dim3A_10, %broadcast_in_dim3A_11 : vector<16x10240xi1>, vector<16x10240xf32>
    %reduce_sum3A = arith.constant dense<0.000000e+00> : vector<16xf32>
    %reduce_sum3A_12 = vector.multi_reduction <add>, %select_n3A, %reduce_sum3A [1] : vector<16x10240xf32> to vector<16xf32>
    %reshape3A_13 = vector.shape_cast %reduce_sum3A_12 : vector<16xf32> to vector<1x16xf32>
    %iota3A_14 = tpu.iota {dimensions = array<i32: 0>} : vector<16x16xi32>
    %iota3A_15 = tpu.iota {dimensions = array<i32: 1>} : vector<16x16xi32>
    %lt3A = arith.cmpi slt, %iota3A_14, %iota3A_15 : vector<16x16xi32>
    %jit3A_16 = arith.constant 1.000000e+00 : f32
    %jit3A_17 = arith.constant 0.000000e+00 : f32
    %broadcast_in_dim3A_18 = vector.broadcast %jit3A_16 : f32 to vector<16x16xf32>
    %broadcast_in_dim3A_19 = vector.broadcast %jit3A_17 : f32 to vector<16x16xf32>
    %select_n3A_20 = arith.select %lt3A, %broadcast_in_dim3A_18, %broadcast_in_dim3A_19 : vector<16x16xi1>, vector<16x16xf32>
    %dot_general3A = arith.constant dense<0.000000e+00> : vector<1x16xf32>
    %dot_general3A_21 = tpu.matmul %reshape3A_13, %select_n3A_20, %dot_general3A {dimension_numbers = #tpu.dot_dimension_numbers<[1], [0], [0], [1], [0, 0, 1, 1], [], []>, transpose_lhs_hint = false} : vector<1x16xf32>, vector<16x16xf32>, vector<1x16xf32> -> vector<1x16xf32>
    %add3A = arith.addf %dot_general3A_21, %reshape3A_13 : vector<1x16xf32>
    %iota3A_22 = tpu.iota {dimensions = array<i32: 1>} : vector<1x16xi32>
    %eq3A_23 = vector.broadcast %broadcast_in_dim3A : vector<80x1xi32> to vector<80x16xi32>
    %eq3A_24 = vector.broadcast %iota3A_22 : vector<1x16xi32> to vector<80x16xi32>
    %eq3A_25 = arith.cmpi eq, %eq3A_23, %eq3A_24 : vector<80x16xi32>
    %jit3A_26 = arith.constant 0.000000e+00 : f32
    %broadcast_in_dim3A_27 = vector.shape_cast %dot_general3A_21 : vector<1x16xf32> to vector<1x16xf32>
    %broadcast_in_dim3A_28 = vector.broadcast %broadcast_in_dim3A_27 : vector<1x16xf32> to vector<80x16xf32>
    %broadcast_in_dim3A_29 = vector.broadcast %jit3A_26 : f32 to vector<80x16xf32>
    %select_n3A_30 = arith.select %eq3A_25, %broadcast_in_dim3A_28, %broadcast_in_dim3A_29 : vector<80x16xi1>, vector<80x16xf32>
    %reduce_sum3A_31 = arith.constant dense<0.000000e+00> : vector<80xf32>
    %reduce_sum3A_32 = vector.multi_reduction <add>, %select_n3A_30, %reduce_sum3A_31 [1] : vector<80x16xf32> to vector<80xf32>
    %broadcast_in_dim3A_33 = vector.shape_cast %reduce_sum3A_32 : vector<80xf32> to vector<80x1xf32>
    %eq3A_34 = vector.broadcast %broadcast_in_dim3A_6 : vector<80x1xi32> to vector<80x16xi32>
    %eq3A_35 = vector.broadcast %iota3A_22 : vector<1x16xi32> to vector<80x16xi32>
    %eq3A_36 = arith.cmpi eq, %eq3A_34, %eq3A_35 : vector<80x16xi32>
    %jit3A_37 = arith.constant 0.000000e+00 : f32
    %broadcast_in_dim3A_38 = vector.shape_cast %add3A : vector<1x16xf32> to vector<1x16xf32>
    %broadcast_in_dim3A_39 = vector.broadcast %broadcast_in_dim3A_38 : vector<1x16xf32> to vector<80x16xf32>
    %broadcast_in_dim3A_40 = vector.broadcast %jit3A_37 : f32 to vector<80x16xf32>
    %select_n3A_41 = arith.select %eq3A_36, %broadcast_in_dim3A_39, %broadcast_in_dim3A_40 : vector<80x16xi1>, vector<80x16xf32>
    %reduce_sum3A_42 = arith.constant dense<0.000000e+00> : vector<80xf32>
    %reduce_sum3A_43 = vector.multi_reduction <add>, %select_n3A_41, %reduce_sum3A_42 [1] : vector<80x16xf32> to vector<80xf32>
    %broadcast_in_dim3A_44 = vector.shape_cast %reduce_sum3A_43 : vector<80xf32> to vector<80x1xf32>
    %mul3A = arith.constant 7.812500e-03 : f32
    %mul3A_45 = vector.broadcast %mul3A : f32 to vector<80x1xf32>
    %mul3A_46 = arith.mulf %broadcast_in_dim3A_33, %mul3A_45 : vector<80x1xf32>
    %floor3A = math.floor %mul3A_46 : vector<80x1xf32>
    %convert_element_type3A = arith.fptosi %floor3A : vector<80x1xf32> to vector<80x1xi32>
    %add3A_47 = arith.constant 1.270000e+02 : f32
    %add3A_48 = vector.broadcast %add3A_47 : f32 to vector<80x1xf32>
    %add3A_49 = arith.addf %broadcast_in_dim3A_44, %add3A_48 : vector<80x1xf32>
    %mul3A_50 = arith.constant 7.812500e-03 : f32
    %mul3A_51 = vector.broadcast %mul3A_50 : f32 to vector<80x1xf32>
    %mul3A_52 = arith.mulf %add3A_49, %mul3A_51 : vector<80x1xf32>
    %floor3A_53 = math.floor %mul3A_52 : vector<80x1xf32>
    %convert_element_type3A_54 = arith.fptosi %floor3A_53 : vector<80x1xf32> to vector<80x1xi32>
    %swap3A = arith.constant 0 : index
    %swap3A_55 = arith.constant 0 : index
    %swap3A_56 = vector.load %arg1[%swap3A, %swap3A_55] : memref<80x8xi32, #tpu.memory_space<vmem>>, vector<80x1xi32>
    tpu.vector_store %arg1[%swap3A, %swap3A_55], %convert_element_type3A {strides = array<i32>} : memref<80x8xi32, #tpu.memory_space<vmem>>, vector<80x1xi32>,
    %swap3A_57 = arith.constant 0 : index
    %swap3A_58 = arith.constant 1 : index
    %swap3A_59 = vector.load %arg1[%swap3A_57, %swap3A_58] : memref<80x8xi32, #tpu.memory_space<vmem>>, vector<80x1xi32>
    tpu.vector_store %arg1[%swap3A_57, %swap3A_58], %convert_element_type3A_54 {strides = array<i32>} : memref<80x8xi32, #tpu.memory_space<vmem>>, vector<80x1xi32>,
    return
  }
}

module attributes {stable_mosaic.version = 14 : i64} {
  func.func @_prep_tc_body(%arg0: memref<10240x128xf32, #tpu.memory_space<vmem>>, %arg1: memref<80x128xi32, #tpu.memory_space<vmem>>, %arg2: memref<129x1xf32, #tpu.memory_space<vmem>>, %arg3: memref<2x80x128xf32, #tpu.memory_space<vmem>>, %arg4: memref<80x128xf32, #tpu.memory_space<vmem>>, %arg5: memref<80x128xf32, #tpu.memory_space<vmem>>, %arg6: memref<80x128xf32, #tpu.memory_space<vmem>>) attributes {dimension_semantics = [], scalar_prefetch = 0 : i64, scratch_operands = 0 : i64, tpu.core_type = #tpu.core_type<tc>} {
    %get3A = arith.constant 0 : index
    %get3A_0 = arith.constant 0 : index
    %get3A_1 = vector.load %arg2[%get3A, %get3A_0] : memref<129x1xf32, #tpu.memory_space<vmem>>, vector<128x1xf32>
    %get3A_2 = arith.constant 128 : index
    %get3A_3 = arith.constant 0 : index
    %get3A_4 = vector.load %arg2[%get3A_2, %get3A_3] : memref<129x1xf32, #tpu.memory_space<vmem>>, vector<1x1xf32>
    %get3A_5 = vector.extract %get3A_4[0, 0] : f32 from vector<1x1xf32>
    %get3A_6 = arith.constant 0 : index
    %get3A_7 = arith.constant 0 : index
    %get3A_8 = vector.load %arg0[%get3A_6, %get3A_7] : memref<10240x128xf32, #tpu.memory_space<vmem>>, vector<10240x128xf32>
    %dot_general3A = arith.constant dense<0.000000e+00> : vector<10240x1xf32>
    %dot_general3A_9 = tpu.matmul %get3A_8, %get3A_1, %dot_general3A {dimension_numbers = #tpu.dot_dimension_numbers<[1], [0], [0], [1], [0, 0, 1, 1], [], []>, transpose_lhs_hint = false} : vector<10240x128xf32>, vector<128x1xf32>, vector<10240x1xf32> -> vector<10240x1xf32>
    %reshape3A = vector.shape_cast %dot_general3A_9 : vector<10240x1xf32> to vector<80x128xf32>
    %get3A_10 = arith.constant 0 : index
    %get3A_11 = arith.constant 0 : index
    %get3A_12 = vector.load %arg1[%get3A_10, %get3A_11] : memref<80x128xi32, #tpu.memory_space<vmem>>, vector<80x128xi32>
    %ne3A = arith.constant 100 : i32
    %ne3A_13 = vector.broadcast %ne3A : i32 to vector<80x128xi32>
    %ne3A_14 = arith.cmpi ne, %get3A_12, %ne3A_13 : vector<80x128xi32>
    %convert_element_type3A = arith.extui %ne3A_14 : vector<80x128xi1> to vector<80x128xi32>
    %convert_element_type3A_15 = arith.sitofp %convert_element_type3A : vector<80x128xi32> to vector<80x128xf32>
    %mul3A = vector.broadcast %get3A_5 : f32 to vector<80x128xf32>
    %mul3A_16 = arith.mulf %convert_element_type3A_15, %mul3A : vector<80x128xf32>
    %add3A = arith.addf %reshape3A, %mul3A_16 : vector<80x128xf32>
    %get3A_17 = arith.constant 0 : index
    %get3A_18 = arith.constant 0 : index
    %get3A_19 = arith.constant 0 : index
    %get3A_20 = vector.load %arg3[%get3A_17, %get3A_18, %get3A_19] : memref<2x80x128xf32, #tpu.memory_space<vmem>>, vector<1x80x128xf32>
    %get3A_21 = vector.shape_cast %get3A_20 : vector<1x80x128xf32> to vector<80x128xf32>
    %get3A_22 = arith.constant 1 : index
    %get3A_23 = arith.constant 0 : index
    %get3A_24 = arith.constant 0 : index
    %get3A_25 = vector.load %arg3[%get3A_22, %get3A_23, %get3A_24] : memref<2x80x128xf32, #tpu.memory_space<vmem>>, vector<1x80x128xf32>
    %get3A_26 = vector.shape_cast %get3A_25 : vector<1x80x128xf32> to vector<80x128xf32>
    %add3A_27 = arith.addf %get3A_21, %get3A_26 : vector<80x128xf32>
    %add3A_28 = arith.constant 1.000000e+00 : f32
    %add3A_29 = vector.broadcast %add3A_28 : f32 to vector<80x128xf32>
    %add3A_30 = arith.addf %add3A_27, %add3A_29 : vector<80x128xf32>
    %rsqrt3A = math.rsqrt %add3A_30 : vector<80x128xf32>
    %swap3A = arith.constant 0 : index
    %swap3A_31 = arith.constant 0 : index
    %swap3A_32 = vector.load %arg5[%swap3A, %swap3A_31] : memref<80x128xf32, #tpu.memory_space<vmem>>, vector<80x128xf32>
    tpu.vector_store %arg5[%swap3A, %swap3A_31], %rsqrt3A {strides = array<i32>} : memref<80x128xf32, #tpu.memory_space<vmem>>, vector<80x128xf32>,
    %mul3A_33 = arith.mulf %add3A, %rsqrt3A : vector<80x128xf32>
    %swap3A_34 = arith.constant 0 : index
    %swap3A_35 = arith.constant 0 : index
    %swap3A_36 = vector.load %arg4[%swap3A_34, %swap3A_35] : memref<80x128xf32, #tpu.memory_space<vmem>>, vector<80x128xf32>
    tpu.vector_store %arg4[%swap3A_34, %swap3A_35], %mul3A_33 {strides = array<i32>} : memref<80x128xf32, #tpu.memory_space<vmem>>, vector<80x128xf32>,
    %swap3A_37 = arith.constant 0 : index
    %swap3A_38 = arith.constant 0 : index
    %swap3A_39 = vector.load %arg6[%swap3A_37, %swap3A_38] : memref<80x128xf32, #tpu.memory_space<vmem>>, vector<80x128xf32>
    tpu.vector_store %arg6[%swap3A_37, %swap3A_38], %convert_element_type3A_15 {strides = array<i32>} : memref<80x128xf32, #tpu.memory_space<vmem>>, vector<80x128xf32>,
    return
  }
}

module attributes {stable_mosaic.version = 14 : i64} {
  func.func @_pool_tc_body(%arg0: memref<10240x128xf32, #tpu.memory_space<vmem>>, %arg1: memref<80x128xf32, #tpu.memory_space<vmem>>, %arg2: memref<80x128xi32, #tpu.memory_space<vmem>>, %arg3: memref<80x128xf32, #tpu.memory_space<vmem>>, %arg4: memref<80x128xf32, #tpu.memory_space<vmem>>, %arg5: memref<2x80x128xf32, #tpu.memory_space<vmem>>, %arg6: memref<1x1xf32, #tpu.memory_space<vmem>>, %arg7: memref<80x8xi32, #tpu.memory_space<smem>>, %arg8: memref<16x129xf32, #tpu.memory_space<vmem>>, %arg9: memref<80x128xf32, #tpu.memory_space<vmem>>, %arg10: memref<80x128xf32, #tpu.memory_space<vmem>>) attributes {dimension_semantics = [], scalar_prefetch = 0 : i64, scratch_operands = 2 : i64, tpu.core_type = #tpu.core_type<tc>} {
    %get3A = arith.constant 0 : index
    %get3A_0 = arith.constant 0 : index
    %get3A_1 = vector.load %arg3[%get3A, %get3A_0] : memref<80x128xf32, #tpu.memory_space<vmem>>, vector<80x128xf32>
    %get3A_2 = arith.constant 0 : index
    %get3A_3 = arith.constant 0 : index
    %get3A_4 = vector.load %arg4[%get3A_2, %get3A_3] : memref<80x128xf32, #tpu.memory_space<vmem>>, vector<80x128xf32>
    %get3A_5 = arith.constant 0 : index
    %get3A_6 = arith.constant 0 : index
    %get3A_7 = arith.constant 0 : index
    %get3A_8 = vector.load %arg5[%get3A_5, %get3A_6, %get3A_7] : memref<2x80x128xf32, #tpu.memory_space<vmem>>, vector<1x80x128xf32>
    %get3A_9 = vector.shape_cast %get3A_8 : vector<1x80x128xf32> to vector<80x128xf32>
    %get3A_10 = arith.constant 1 : index
    %get3A_11 = arith.constant 0 : index
    %get3A_12 = arith.constant 0 : index
    %get3A_13 = vector.load %arg5[%get3A_10, %get3A_11, %get3A_12] : memref<2x80x128xf32, #tpu.memory_space<vmem>>, vector<1x80x128xf32>
    %get3A_14 = vector.shape_cast %get3A_13 : vector<1x80x128xf32> to vector<80x128xf32>
    %add3A = arith.addf %get3A_9, %get3A_14 : vector<80x128xf32>
    %add3A_15 = arith.addf %add3A, %get3A_1 : vector<80x128xf32>
    %mul3A = arith.mulf %get3A_4, %add3A_15 : vector<80x128xf32>
    %get3A_16 = arith.constant 0 : index
    %get3A_17 = arith.constant 0 : index
    %get3A_18 = vector.load %arg6[%get3A_16, %get3A_17] : memref<1x1xf32, #tpu.memory_space<vmem>>, vector<1x1xf32>
    %get3A_19 = vector.extract %get3A_18[0, 0] : f32 from vector<1x1xf32>
    %add3A_20 = vector.broadcast %get3A_19 : f32 to vector<80x128xf32>
    %add3A_21 = arith.addf %mul3A, %add3A_20 : vector<80x128xf32>
    %tanh3A = math.tanh %add3A_21 : vector<80x128xf32>
    %swap3A = arith.constant 0 : index
    %swap3A_22 = arith.constant 0 : index
    %swap3A_23 = vector.load %arg10[%swap3A, %swap3A_22] : memref<80x128xf32, #tpu.memory_space<vmem>>, vector<80x128xf32>
    tpu.vector_store %arg10[%swap3A, %swap3A_22], %tanh3A {strides = array<i32>} : memref<80x128xf32, #tpu.memory_space<vmem>>, vector<80x128xf32>,
    %get3A_24 = arith.constant 0 : index
    %get3A_25 = arith.constant 0 : index
    %get3A_26 = vector.load %arg2[%get3A_24, %get3A_25] : memref<80x128xi32, #tpu.memory_space<vmem>>, vector<80x128xi32>
    %reshape3A = vector.shape_cast %get3A_26 : vector<80x128xi32> to vector<1x10240xi32>
    %iota3A = tpu.iota {dimensions = array<i32: 0>} : vector<16x1xi32>
    %eq3A = vector.broadcast %reshape3A : vector<1x10240xi32> to vector<16x10240xi32>
    %eq3A_27 = vector.broadcast %iota3A : vector<16x1xi32> to vector<16x10240xi32>
    %eq3A_28 = arith.cmpi eq, %eq3A, %eq3A_27 : vector<16x10240xi32>
    %jit3A = arith.constant 1.000000e+00 : f32
    %jit3A_29 = arith.constant 0.000000e+00 : f32
    %broadcast_in_dim3A = vector.broadcast %jit3A : f32 to vector<16x10240xf32>
    %broadcast_in_dim3A_30 = vector.broadcast %jit3A_29 : f32 to vector<16x10240xf32>
    %select_n3A = arith.select %eq3A_28, %broadcast_in_dim3A, %broadcast_in_dim3A_30 : vector<16x10240xi1>, vector<16x10240xf32>
    %reduce_sum3A = arith.constant dense<0.000000e+00> : vector<16xf32>
    %reduce_sum3A_31 = vector.multi_reduction <add>, %select_n3A, %reduce_sum3A [1] : vector<16x10240xf32> to vector<16xf32>
    %broadcast_in_dim3A_32 = vector.shape_cast %reduce_sum3A_31 : vector<16xf32> to vector<16x1xf32>
    %add3A_33 = arith.constant 1.000000e+00 : f32
    %add3A_34 = vector.broadcast %add3A_33 : f32 to vector<16x1xf32>
    %add3A_35 = arith.addf %broadcast_in_dim3A_32, %add3A_34 : vector<16x1xf32>
    %mul3A_36 = arith.constant 5.000000e-01 : f32
    %mul3A_37 = vector.broadcast %mul3A_36 : f32 to vector<16x1xf32>
    %mul3A_38 = arith.mulf %add3A_35, %mul3A_37 : vector<16x1xf32>
    %floor3A = math.floor %mul3A_38 : vector<16x1xf32>
    %mul3A_39 = vector.broadcast %floor3A : vector<16x1xf32> to vector<16x10240xf32>
    %mul3A_40 = arith.mulf %select_n3A, %mul3A_39 : vector<16x10240xf32>
    %reduce_sum3A_41 = arith.constant dense<0.000000e+00> : vector<10240xf32>
    %reduce_sum3A_42 = vector.multi_reduction <add>, %mul3A_40, %reduce_sum3A_41 [0] : vector<16x10240xf32> to vector<10240xf32>
    %reshape3A_43 = vector.shape_cast %reduce_sum3A_42 : vector<10240xf32> to vector<80x128xf32>
    %scan3A = arith.constant 0 : i32
    %scan3A_44 = arith.constant 80 : i32
    %scan3A_45 = arith.addi %scan3A, %scan3A_44 : i32
    %scan3A_46 = arith.constant 1 : i32
    scf.for %scan3A_89 = %scan3A to %scan3A_45 step %scan3A_46  : i32 {
      %get3A_90 = arith.index_cast %scan3A_89 : i32 to index
      %get3A_91 = arith.constant 0 : index
      %get3A_92 = vector.load %arg10[%get3A_90, %get3A_91] : memref<80x128xf32, #tpu.memory_space<vmem>>, vector<1x128xf32>
      %reshape3A_93 = vector.shape_cast %get3A_92 : vector<1x128xf32> to vector<128x1xf32>
      %get3A_94 = arith.index_cast %scan3A_89 : i32 to index
      %get3A_95 = arith.constant 0 : index
      %get3A_96 = vector.load %arg2[%get3A_94, %get3A_95] : memref<80x128xi32, #tpu.memory_space<vmem>>, vector<1x128xi32>
      %reshape3A_97 = vector.shape_cast %get3A_96 : vector<1x128xi32> to vector<128x1xi32>
      %mul3A_98 = arith.constant 128 : i32
      %mul3A_99 = arith.muli %scan3A_89, %mul3A_98 : i32
      %iota3A_100 = tpu.iota {dimensions = array<i32: 0>} : vector<128x1xi32>
      %add3A_101 = vector.broadcast %mul3A_99 : i32 to vector<128x1xi32>
      %add3A_102 = arith.addi %add3A_101, %iota3A_100 : vector<128x1xi32>
      %get3A_103 = arith.index_cast %scan3A_89 : i32 to index
      %get3A_104 = arith.constant 0 : index
      %get3A_105 = memref.load %arg7[%get3A_103, %get3A_104] : memref<80x8xi32, #tpu.memory_space<smem>>
      %get3A_106 = arith.index_cast %scan3A_89 : i32 to index
      %get3A_107 = arith.constant 1 : index
      %get3A_108 = memref.load %arg7[%get3A_106, %get3A_107] : memref<80x8xi32, #tpu.memory_space<smem>>
      %broadcast_in_dim3A_109 = arith.constant 0.000000e+00 : f32
      %broadcast_in_dim3A_110 = vector.broadcast %broadcast_in_dim3A_109 : f32 to vector<128x1xf32>
      %while3A = arith.subi %get3A_108, %get3A_105 : i32
      %while3A_111 = arith.addi %get3A_105, %while3A : i32
      %while3A_112 = arith.constant 1 : i32
      %while3A_113 = arith.divsi %while3A, %while3A_112 : i32
      %while3A_114 = arith.muli %while3A_113, %while3A_112 : i32
      %while3A_115 = arith.addi %get3A_105, %while3A_114 : i32
      %while3A_116 = arith.constant 1 : i32
      %while3A_117 = scf.for %while3A_124 = %get3A_105 to %while3A_115 step %while3A_116 iter_args(%while3A_125 = %broadcast_in_dim3A_110) -> (vector<128x1xf32>)  : i32 {
        %get3A_126 = arith.index_cast %while3A_124 : i32 to index
        %get3A_127 = arith.constant 0 : index
        %get3A_128 = vector.load %arg10[%get3A_126, %get3A_127] : memref<80x128xf32, #tpu.memory_space<vmem>>, vector<1x128xf32>
        %get3A_129 = arith.index_cast %while3A_124 : i32 to index
        %get3A_130 = arith.constant 0 : index
        %get3A_131 = vector.load %arg2[%get3A_129, %get3A_130] : memref<80x128xi32, #tpu.memory_space<vmem>>, vector<1x128xi32>
        %mul3A_132 = arith.constant 128 : i32
        %mul3A_133 = arith.muli %while3A_124, %mul3A_132 : i32
        %iota3A_134 = tpu.iota {dimensions = array<i32: 1>} : vector<1x128xi32>
        %add3A_135 = vector.broadcast %mul3A_133 : i32 to vector<1x128xi32>
        %add3A_136 = arith.addi %add3A_135, %iota3A_134 : vector<1x128xi32>
        %eq3A_137 = vector.broadcast %get3A_131 : vector<1x128xi32> to vector<128x128xi32>
        %eq3A_138 = vector.broadcast %reshape3A_97 : vector<128x1xi32> to vector<128x128xi32>
        %eq3A_139 = arith.cmpi eq, %eq3A_137, %eq3A_138 : vector<128x128xi32>
        %gt3A = vector.broadcast %get3A_128 : vector<1x128xf32> to vector<128x128xf32>
        %gt3A_140 = vector.broadcast %reshape3A_93 : vector<128x1xf32> to vector<128x128xf32>
        %gt3A_141 = arith.cmpf ogt, %gt3A, %gt3A_140 : vector<128x128xf32>
        %eq3A_142 = vector.broadcast %get3A_128 : vector<1x128xf32> to vector<128x128xf32>
        %eq3A_143 = vector.broadcast %reshape3A_93 : vector<128x1xf32> to vector<128x128xf32>
        %eq3A_144 = arith.cmpf oeq, %eq3A_142, %eq3A_143 : vector<128x128xf32>
        %lt3A_145 = vector.broadcast %add3A_136 : vector<1x128xi32> to vector<128x128xi32>
        %lt3A_146 = vector.broadcast %add3A_102 : vector<128x1xi32> to vector<128x128xi32>
        %lt3A_147 = arith.cmpi slt, %lt3A_145, %lt3A_146 : vector<128x128xi32>
        %and3A = arith.andi %eq3A_144, %lt3A_147 : vector<128x128xi1>
        %or3A = arith.ori %gt3A_141, %and3A : vector<128x128xi1>
        %and3A_148 = arith.andi %eq3A_139, %or3A : vector<128x128xi1>
        %jit3A_149 = arith.constant 1.000000e+00 : f32
        %jit3A_150 = arith.constant 0.000000e+00 : f32
        %broadcast_in_dim3A_151 = vector.broadcast %jit3A_149 : f32 to vector<128x128xf32>
        %broadcast_in_dim3A_152 = vector.broadcast %jit3A_150 : f32 to vector<128x128xf32>
        %select_n3A_153 = arith.select %and3A_148, %broadcast_in_dim3A_151, %broadcast_in_dim3A_152 : vector<128x128xi1>, vector<128x128xf32>
        %reduce_sum3A_154 = arith.constant dense<0.000000e+00> : vector<128xf32>
        %reduce_sum3A_155 = vector.multi_reduction <add>, %select_n3A_153, %reduce_sum3A_154 [1] : vector<128x128xf32> to vector<128xf32>
        %broadcast_in_dim3A_156 = vector.shape_cast %reduce_sum3A_155 : vector<128xf32> to vector<128x1xf32>
        %add3A_157 = arith.addf %while3A_125, %broadcast_in_dim3A_156 : vector<128x1xf32>
        scf.yield %add3A_157 : vector<128x1xf32>
      }
      %while3A_118 = arith.constant 1 : i32
      %while3A_119 = scf.for %while3A_124 = %while3A_115 to %while3A_111 step %while3A_118 iter_args(%while3A_125 = %while3A_117) -> (vector<128x1xf32>)  : i32 {
        %get3A_126 = arith.index_cast %while3A_124 : i32 to index
        %get3A_127 = arith.constant 0 : index
        %get3A_128 = vector.load %arg10[%get3A_126, %get3A_127] : memref<80x128xf32, #tpu.memory_space<vmem>>, vector<1x128xf32>
        %get3A_129 = arith.index_cast %while3A_124 : i32 to index
        %get3A_130 = arith.constant 0 : index
        %get3A_131 = vector.load %arg2[%get3A_129, %get3A_130] : memref<80x128xi32, #tpu.memory_space<vmem>>, vector<1x128xi32>
        %mul3A_132 = arith.constant 128 : i32
        %mul3A_133 = arith.muli %while3A_124, %mul3A_132 : i32
        %iota3A_134 = tpu.iota {dimensions = array<i32: 1>} : vector<1x128xi32>
        %add3A_135 = vector.broadcast %mul3A_133 : i32 to vector<1x128xi32>
        %add3A_136 = arith.addi %add3A_135, %iota3A_134 : vector<1x128xi32>
        %eq3A_137 = vector.broadcast %get3A_131 : vector<1x128xi32> to vector<128x128xi32>
        %eq3A_138 = vector.broadcast %reshape3A_97 : vector<128x1xi32> to vector<128x128xi32>
        %eq3A_139 = arith.cmpi eq, %eq3A_137, %eq3A_138 : vector<128x128xi32>
        %gt3A = vector.broadcast %get3A_128 : vector<1x128xf32> to vector<128x128xf32>
        %gt3A_140 = vector.broadcast %reshape3A_93 : vector<128x1xf32> to vector<128x128xf32>
        %gt3A_141 = arith.cmpf ogt, %gt3A, %gt3A_140 : vector<128x128xf32>
        %eq3A_142 = vector.broadcast %get3A_128 : vector<1x128xf32> to vector<128x128xf32>
        %eq3A_143 = vector.broadcast %reshape3A_93 : vector<128x1xf32> to vector<128x128xf32>
        %eq3A_144 = arith.cmpf oeq, %eq3A_142, %eq3A_143 : vector<128x128xf32>
        %lt3A_145 = vector.broadcast %add3A_136 : vector<1x128xi32> to vector<128x128xi32>
        %lt3A_146 = vector.broadcast %add3A_102 : vector<128x1xi32> to vector<128x128xi32>
        %lt3A_147 = arith.cmpi slt, %lt3A_145, %lt3A_146 : vector<128x128xi32>
        %and3A = arith.andi %eq3A_144, %lt3A_147 : vector<128x128xi1>
        %or3A = arith.ori %gt3A_141, %and3A : vector<128x128xi1>
        %and3A_148 = arith.andi %eq3A_139, %or3A : vector<128x128xi1>
        %jit3A_149 = arith.constant 1.000000e+00 : f32
        %jit3A_150 = arith.constant 0.000000e+00 : f32
        %broadcast_in_dim3A_151 = vector.broadcast %jit3A_149 : f32 to vector<128x128xf32>
        %broadcast_in_dim3A_152 = vector.broadcast %jit3A_150 : f32 to vector<128x128xf32>
        %select_n3A_153 = arith.select %and3A_148, %broadcast_in_dim3A_151, %broadcast_in_dim3A_152 : vector<128x128xi1>, vector<128x128xf32>
        %reduce_sum3A_154 = arith.constant dense<0.000000e+00> : vector<128xf32>
        %reduce_sum3A_155 = vector.multi_reduction <add>, %select_n3A_153, %reduce_sum3A_154 [1] : vector<128x128xf32> to vector<128xf32>
        %broadcast_in_dim3A_156 = vector.shape_cast %reduce_sum3A_155 : vector<128xf32> to vector<128x1xf32>
        %add3A_157 = arith.addf %while3A_125, %broadcast_in_dim3A_156 : vector<128x1xf32>
        scf.yield %add3A_157 : vector<128x1xf32>
      }
      %reshape3A_120 = vector.shape_cast %while3A_119 : vector<128x1xf32> to vector<1x128xf32>
      %swap3A_121 = arith.index_cast %scan3A_89 : i32 to index
      %swap3A_122 = arith.constant 0 : index
      %swap3A_123 = vector.load %arg9[%swap3A_121, %swap3A_122] : memref<80x128xf32, #tpu.memory_space<vmem>>, vector<1x128xf32>
      tpu.vector_store %arg9[%swap3A_121, %swap3A_122], %reshape3A_120 {strides = array<i32>} : memref<80x128xf32, #tpu.memory_space<vmem>>, vector<1x128xf32>,
    }
    %scan3A_47 = arith.constant 80 : i32
    %get3A_48 = arith.constant 0 : index
    %get3A_49 = arith.constant 0 : index
    %get3A_50 = vector.load %arg9[%get3A_48, %get3A_49] : memref<80x128xf32, #tpu.memory_space<vmem>>, vector<80x128xf32>
    %lt3A = arith.cmpf olt, %get3A_50, %reshape3A_43 : vector<80x128xf32>
    %jit3A_51 = arith.constant 1.000000e+00 : f32
    %jit3A_52 = arith.constant 0.000000e+00 : f32
    %broadcast_in_dim3A_53 = vector.broadcast %jit3A_51 : f32 to vector<80x128xf32>
    %broadcast_in_dim3A_54 = vector.broadcast %jit3A_52 : f32 to vector<80x128xf32>
    %select_n3A_55 = arith.select %lt3A, %broadcast_in_dim3A_53, %broadcast_in_dim3A_54 : vector<80x128xi1>, vector<80x128xf32>
    %reshape3A_56 = vector.shape_cast %select_n3A_55 : vector<80x128xf32> to vector<1x10240xf32>
    %mul3A_57 = arith.mulf %select_n3A_55, %tanh3A : vector<80x128xf32>
    %reshape3A_58 = vector.shape_cast %mul3A_57 : vector<80x128xf32> to vector<1x10240xf32>
    %mul3A_59 = vector.broadcast %reshape3A_58 : vector<1x10240xf32> to vector<16x10240xf32>
    %mul3A_60 = arith.mulf %select_n3A, %mul3A_59 : vector<16x10240xf32>
    %get3A_61 = arith.constant 0 : index
    %get3A_62 = arith.constant 0 : index
    %get3A_63 = vector.load %arg0[%get3A_61, %get3A_62] : memref<10240x128xf32, #tpu.memory_space<vmem>>, vector<10240x128xf32>
    %dot_general3A = arith.constant dense<0.000000e+00> : vector<16x128xf32>
    %dot_general3A_64 = tpu.matmul %mul3A_60, %get3A_63, %dot_general3A {dimension_numbers = #tpu.dot_dimension_numbers<[1], [0], [0], [1], [0, 0, 1, 1], [], []>, transpose_lhs_hint = false} : vector<16x10240xf32>, vector<10240x128xf32>, vector<16x128xf32> -> vector<16x128xf32>
    %get3A_65 = arith.constant 0 : index
    %get3A_66 = arith.constant 0 : index
    %get3A_67 = vector.load %arg1[%get3A_65, %get3A_66] : memref<80x128xf32, #tpu.memory_space<vmem>>, vector<80x128xf32>
    %reshape3A_68 = vector.shape_cast %get3A_67 : vector<80x128xf32> to vector<1x10240xf32>
    %mul3A_69 = vector.broadcast %reshape3A_68 : vector<1x10240xf32> to vector<16x10240xf32>
    %mul3A_70 = arith.mulf %mul3A_60, %mul3A_69 : vector<16x10240xf32>
    %reduce_sum3A_71 = arith.constant dense<0.000000e+00> : vector<16xf32>
    %reduce_sum3A_72 = vector.multi_reduction <add>, %mul3A_70, %reduce_sum3A_71 [1] : vector<16x10240xf32> to vector<16xf32>
    %broadcast_in_dim3A_73 = vector.shape_cast %reduce_sum3A_72 : vector<16xf32> to vector<16x1xf32>
    %mul3A_74 = vector.broadcast %reshape3A_56 : vector<1x10240xf32> to vector<16x10240xf32>
    %mul3A_75 = arith.mulf %select_n3A, %mul3A_74 : vector<16x10240xf32>
    %reduce_sum3A_76 = arith.constant dense<0.000000e+00> : vector<16xf32>
    %reduce_sum3A_77 = vector.multi_reduction <add>, %mul3A_75, %reduce_sum3A_76 [1] : vector<16x10240xf32> to vector<16xf32>
    %broadcast_in_dim3A_78 = vector.shape_cast %reduce_sum3A_77 : vector<16xf32> to vector<16x1xf32>
    %max3A = arith.constant 1.000000e+00 : f32
    %max3A_79 = vector.broadcast %max3A : f32 to vector<16x1xf32>
    %max3A_80 = arith.maximumf %broadcast_in_dim3A_78, %max3A_79 : vector<16x1xf32>
    %div3A = vector.broadcast %max3A_80 : vector<16x1xf32> to vector<16x128xf32>
    %div3A_81 = arith.divf %dot_general3A_64, %div3A : vector<16x128xf32>
    %swap3A_82 = arith.constant 0 : index
    %swap3A_83 = arith.constant 0 : index
    %swap3A_84 = vector.load %arg8[%swap3A_82, %swap3A_83] : memref<16x129xf32, #tpu.memory_space<vmem>>, vector<16x128xf32>
    tpu.vector_store %arg8[%swap3A_82, %swap3A_83], %div3A_81 {strides = array<i32>} : memref<16x129xf32, #tpu.memory_space<vmem>>, vector<16x128xf32>,
    %div3A_85 = arith.divf %broadcast_in_dim3A_73, %max3A_80 : vector<16x1xf32>
    %swap3A_86 = arith.constant 0 : index
    %swap3A_87 = arith.constant 128 : index
    %swap3A_88 = vector.load %arg8[%swap3A_86, %swap3A_87] : memref<16x129xf32, #tpu.memory_space<vmem>>, vector<16x1xf32>
    tpu.vector_store %arg8[%swap3A_86, %swap3A_87], %div3A_85 {strides = array<i32>} : memref<16x129xf32, #tpu.memory_space<vmem>>, vector<16x1xf32>,
    return
  }
}

</mosaic_0001>

<sc_bundles>
// kernel: kernel.10.cloned.1.call-start
scs
__scs_entry_jumppad:
0x0: {  	(pc) =	sbr.rel $0x88, $3  }
0x1: {  	(tag) =	ssettag $0x0;
	lr =	simm.s32 $0x1  }
0x2: {  	[smem:$0x3F9B] =	sst lr;
	_ =	strace $0xD0000000  }
0x3: {  	_ = 	snop  }
0x4: {  	_ = 	snop  }
0x5: {  	_ = 	snop  }
0x6: {  	_ = 	snop  }
0x7: {  	_ = 	snop  }
__scs_overlays_trampoline_lowered:
0x8: {  	[smem:$0x3FAA] =	sst s0  }
0x9: {  	[smem:$0x3FAB] =	sst s1  }
0xa: {  	[smem:$0x3FAC] =	sst s2  }
0xb: {  	[smem:$0x3FAD] =	sst s3  }
0xc: {  	[smem:$0x3FAE] =	sst s4  }
0xd: {  	[smem:$0x3FAF] =	sst s5  }
0xe: {  	[smem:$0x3FB0] =	sst s6  }
0xf: {  	[smem:$0x3FB1] =	sst s7  }
0x10: {  	[smem:$0x3FB2] =	sst s8  }
0x11: {  	[smem:$0x3FB3] =	sst s9;
	s0 =	simm.s32 @!p0 $0x0  }
0x12: {  	s1 =	sld [smem:$0x3F99];
	s0 =	simm.s32 @p0 $0x1  }
0x13: {  	[smem:$0x3FB4] =	sst s0;
	s0 =	simm.s32 @!p1 $0x0  }
0x14: {  	s2 =	sld [smem:$0x3F98];
	s0 =	simm.s32 @p1 $0x1  }
0x15: {  	[smem:$0x3FB5] =	sst s0;
	s0 =	simm.s32 @!p2 $0x0  }
0x16: {  	s3 =	sld [smem:$0x3FDB];
	s0 =	simm.s32 @p2 $0x1  }
0x17: {  	s4 =	simm.s32 $0x1BF5;
	[smem:$0x3FB7] =	sst s0  }
0x18: {  	s0 =	sld [smem:$0x3F9A];
	_ =	swait.ge [sflag:s4], $0x0  }
0x19: {  	s7 =	sld [smem:$0x3F9B]  }
0x1a: {  	s8 =	sadd.s32 $0xFFFFE003, lr  }
0x1b: {  	s9 =	sadd.s32 $0xFFFFFEF7, lr;
	s5 =	simm.s32 $0xFFFFFFFF;
	p2 =	slt.u32 s8, $0xFFFFF086  }
0x1c: {  	p1 =	slt.u32 s9, $0xF7A;
	s5 =	simm.s32 @!p2 $0x0  }
0x1d: {  	s5 =	simm.s32 @p1 $0x1;
	p0 =	seq.s32 s7, s2  }
0x1e: {  	s7 =	smul.u32 @!p0 $0xF7A, s2;
	p2 =	seq.s32 @!p0 s5, $0x0  }
0x1f: {  	s9 =	smul.u32 $0xF7A, s1;
	s8 =	simm.s32 @!p0 $0x1BF5;
	p2 =	por !p2, p0  }
0x20: {  	[sflag:s8] =	ssyncset.s32 @!p0 $0xFFFFF086;
	s6 =	sadd.s32 @!p0 s3, s7;
	s7 =	simm.s32 @!p0 $0x108  }
0x21: {  	s3 =	sadd.s32 s3, s9;
	s6 =	sadd.s32 @!p0 $0x88, s6;
	s7 =	simm.s32 @p2 $0x1082  }
0x22: {  	[simem:s7], [sflag:s8] =	dma.local @!p0 [hbm:s6], $0xF7A  }
0x23: {  	s9 =	sor.u32 $0xD0000000, s2;
	s6 =	simm.s32 $0x108;
	_ =	swait.ge @!p0 [sflag:s8], $0x0  }
0x24: {  	s3 =	sadd.s32 $0x88, s3;
	s6 =	simm.s32 @!p1 $0x1082;
	[sflag:s4] =	ssyncset.s32 $0xFFFFF086  }
0x25: {  	[simem:s6], [sflag:s4] =	dma.local [hbm:s3], $0xF7A  }
0x26: {  	[smem:$0x3F9B] =	sst s1;
	(tag) =	ssettag s2;
	_ =	strace s9  }
0x27: {  	s1 =	sld [smem:$0x3FAB]  }
0x28: {  	s2 =	sld [smem:$0x3FAC]  }
0x29: {  	s4 =	sld [smem:$0x3FAE]  }
0x2a: {  	p0 =	seq.s32 s5, $0x0;
	s5 =	sld [smem:$0x3FAF]  }
0x2b: {  	s6 =	sld [smem:$0x3FB0]  }
0x2c: {  	s7 =	sld [smem:$0x3FB1]  }
0x2d: {  	s3 =	simm.s32 $0x108;
	s8 =	sld [smem:$0x3FB2]  }
0x2e: {  	s3 =	simm.s32 @!p0 $0x1082;
	s9 =	sld [smem:$0x3FB3]  }
0x2f: {  	lr =	sadd.s32 s0, s3;
	s0 =	sld [smem:$0x3FAA]  }
0x30: {  	s3 =	sld [smem:$0x3FAD]  }
0x31: {  	[smem:$0x3FB6] =	sst s10  }
0x32: {  	s10 =	sld [smem:$0x3FB4];
	_ =	sdelay $0x3  }
0x33: {  	p0 =	seq.s32 s10, $0x1;
	s10 =	sld [smem:$0x3FB6];
	_ =	sdelay $0x3  }
0x34: {  	[smem:$0x3FB6] =	sst s10  }
0x35: {  	s10 =	sld [smem:$0x3FB5];
	_ =	sdelay $0x3  }
0x36: {  	p1 =	seq.s32 s10, $0x1;
	s10 =	sld [smem:$0x3FB6];
	_ =	sdelay $0x3  }
0x37: {  	[smem:$0x3FB6] =	sst s10  }
0x38: {  	s10 =	sld [smem:$0x3FB7]  }
0x39: {  	_ = 	snop;
	(pc) =	sbr.ind lr, $3  }
0x3a: {  	_ = 	snop  }
0x3b: {  	_ = 	snop  }
0x3c: {  	p2 =	seq.s32 s10, $0x1;
	s10 =	sld [smem:$0x3FB6]  }
0x3d: {  	_ =	shalt  }
0x3e: {  	_ =	shalt  }
0x3f: {  	_ =	shalt  }
0x40: {  	_ =	shalt  }
0x41: {  	_ =	shalt  }
0x42: {  	_ =	shalt  }
0x43: {  	_ =	shalt  }
0x44: {  	_ =	shalt  }
0x45: {  	_ =	shalt  }
0x46: {  	_ =	shalt  }
0x47: {  	_ =	shalt  }
0x48: {  	_ =	shalt  }
0x49: {  	_ =	shalt  }
0x4a: {  	_ =	shalt  }
0x4b: {  	_ =	shalt  }
0x4c: {  	_ =	shalt  }
0x4d: {  	_ =	shalt  }
0x4e: {  	_ =	shalt  }
0x4f: {  	_ =	shalt  }
0x50: {  	_ =	shalt  }
0x51: {  	_ =	shalt  }
0x52: {  	_ =	shalt  }
0x53: {  	_ =	shalt  }
0x54: {  	_ =	shalt  }
0x55: {  	_ =	shalt  }
0x56: {  	_ =	shalt  }
0x57: {  	_ =	shalt  }
0x58: {  	_ =	shalt  }
0x59: {  	_ =	shalt  }
0x5a: {  	_ =	shalt  }
0x5b: {  	_ =	shalt  }
0x5c: {  	_ =	shalt  }
0x5d: {  	_ =	shalt  }
0x5e: {  	_ =	shalt  }
0x5f: {  	_ =	shalt  }
0x60: {  	_ =	shalt  }
0x61: {  	_ =	shalt  }
0x62: {  	_ =	shalt  }
0x63: {  	_ =	shalt  }
0x64: {  	_ =	shalt  }
0x65: {  	_ =	shalt  }
0x66: {  	_ =	shalt  }
0x67: {  	_ =	shalt  }
0x68: {  	_ =	shalt  }
0x69: {  	_ =	shalt  }
0x6a: {  	_ =	shalt  }
0x6b: {  	_ =	shalt  }
0x6c: {  	_ =	shalt  }
0x6d: {  	_ =	shalt  }
0x6e: {  	_ =	shalt  }
0x6f: {  	_ =	shalt  }
0x70: {  	_ =	shalt  }
0x71: {  	_ =	shalt  }
0x72: {  	_ =	shalt  }
0x73: {  	_ =	shalt  }
0x74: {  	_ =	shalt  }
0x75: {  	_ =	shalt  }
0x76: {  	_ =	shalt  }
0x77: {  	_ =	shalt  }
0x78: {  	_ =	shalt  }
0x79: {  	_ =	shalt  }
0x7a: {  	_ =	shalt  }
0x7b: {  	_ =	shalt  }
0x7c: {  	_ =	shalt  }
0x7d: {  	_ =	shalt  }
0x7e: {  	_ =	shalt  }
0x7f: {  	_ =	shalt  }
0x80: {  	_ =	shalt  }
0x81: {  	_ =	shalt  }
0x82: {  	_ =	shalt  }
0x83: {  	_ =	shalt  }
0x84: {  	_ =	shalt  }
0x85: {  	_ =	shalt  }
0x86: {  	_ =	shalt  }
0x87: {  	_ =	shalt  }
.Lfunc_end0:
.L_simem_size_0:
called_computation.1_lowered:
.L_overlay_start_0:
0x88: {  	s2 =	sld [smem:$0x3FD9]  }
0x89: {  	s3 =	sld [smem:$0x3FFE];
	_ =	sdelay $0x1  }
0x8a: {  	s1 =	srdreg.scid  }
0x8b: {  	s0 =	sand.u32 $0x1, s1  }
0x8c: {  	s16 =	sshll.u32 s0, $0xA;
	s2 =	sadd.s32 s3, s2  }
0x8d: {  	s2 =	sadd.s32 s2, s16  }
0x8e: {  	[smem:$0x3FC2] =	sst s2  }
0x8f: {  	_ = 	snop  }
0x90: {  	(tm) =	ssettm $0x1  }
0x91: {  	s17 =	sld [smem:$0x3FFB];
	_ =	sdelay $0x3  }
0x92: {  	_ =	strace s17  }
0x93: {  	s2 =	sld [smem:$0x3FFC];
	_ =	sdelay $0x3  }
0x94: {  	_ =	strace s2  }
0x95: {  	s2 =	sld [smem:$0x3FFD];
	_ =	sdelay $0x3  }
0x96: {  	_ =	strace s2  }
0x97: {  	_ =	strace $0x8FFFFFFF  }
0x98: {  	s18 =	sld [smem:$0x3FDB];
	_ =	sdelay $0x1  }
0x99: {  	s19 =	simm.s32 $_scs_section_size  }
0x9a: {  	s4 =	simm.s32 $_size__tile_overlayer_lowered;
	s5 =	simm.s32 $_tile_overlayer_lowered  }
0x9b: {  	s22 =	simm.s32 $0x1BFF;
	s21 =	sshll.u32 s5, $0x1;
	s2 =	sadd.s32 s19, s18  }
0x9c: {  	s6 =	simm.s32 $0x0;
	s20 =	sshll.u32 s4, $0x1;
	s4 =	sadd.s32 s21, s2  }
0x9d: {  	[timem:s6], [sflag:s22] =	dma.local [hbm:s4], s20  }
0x9e: {  	_ =	swait.ge [sflag:s22], s20  }
0x9f: {  	s3 =	ssub.s32 $0x0, s20;
	[sflag:s22] =	ssyncset.done $0x0  }
0xa0: {  	[sflag:s22] =	ssyncadd.s32 s3;
	_ =	sdelay $0x1  }
0xa1: {  	s23 =	simm.s32 $0x1B8B  }
0xa2: {  	_ =	swait.ge [sflag:s23], $0x1  }
0xa3: {  	[sflag:s23] =	ssyncset.done $0x0  }
0xa4: {  	s25 =	simm.s32 $0x1B8E;
	s24 =	sld [smem:$0x3FFE];
	[sflag:s23] =	ssyncadd.s32 $0xFFFFFFFF  }
0xa5: {  	s26 =	simm.s32 $execute0_lowered;
	[smem:$0x3FD2] =	sst s25  }
0xa6: {  	s4 =	sshll.u32 s26, $0x1;
	_ =	strace $0x80000049;
	[dreg:$0x1] =	wrdreg $0xFFFFFFFF  }
0xa7: {  	s28 =	simm.s32 $_size_execute0_lowered;
	s2 =	sadd.s32 s2, s4;
	[dreg:$0x0] =	wrdreg $0x0  }
0xa8: {  	s4 =	sshll.u32 s28, $0x1;
	[dreg:$0x2] =	wrdreg s2  }
0xa9: {  	[dreg:$0x3] =	wrdreg s4  }
0xaa: {  	[dreg:$0x4] =	wrdreg $0xC0  }
0xab: {  	_ =	task [dreg:s6], $0x5FFFF  }
0xac: {  	[dreg:$0x1] =	wrdreg $0xFFFFFFFF  }
0xad: {  	[dreg:$0x0] =	wrdreg $0x60  }
0xae: {  	[dreg:$0x2] =	wrdreg s24  }
0xaf: {  	[dreg:$0x3] =	wrdreg $0xC7000  }
0xb0: {  	[dreg:$0x4] =	wrdreg $0x9  }
0xb1: {  	_ =	task.clear_ibuf [dreg:s6], $0x5FFFF;
	_ =	strace $0x90000049  }
0xb2: {  	s29 =	simm.s32 $0x9;
	_ =	strace $0x8000004B  }
0xb3: {  	_ =	swait.ge [sflag:s29], $0x1  }
0xb4: {  	[sflag:s29] =	ssyncadd.s32 $0xFFFFFFFF  }
0xb5: {  	_ =	strace $0x9000004B  }
0xb6: {  	_ =	sfence  }
0xb7: {  	s30 =	sld [smem:$0x0];
	_ =	sdelay $0x2  }
0xb8: {  	s31 =	sshll.u32 s1, $0xD;
	s1 =	sshrl.u32 s1, $0x2  }
0xb9: {  	s3 =	sand.u32 $0x4000, s31;
	s1 =	sadd.s32 s1, s30  }
0xba: {  	s0 =	sor.u32 s3, s0;
	s1 =	sshll.u32 s1, $0x11  }
0xbb: {  	s0 =	sor.u32 s1, s0  }
0xbc: {  	s0 =	sadd.s32 $0x8F2B, s0  }
0xbd: {  	[sflag:s0] =	ssyncadd.remote.s32 $0x1  }
0xbe: {  	_ =	sfence.sel $0xFFFF  }
0xbf: {  	[dreg:$0x0] =	wrdreg $0xFFFFFFFF;
	(pc) =	sbr.abs _section_cstart, $3  }
0xc0: {  	[dreg:$0x1] =	wrdreg $0xFFFFFFFF  }
0xc1: {  	_ =	task.clear_ibuf [dreg:s6], $0x2FFFF;
	_ =	strace $0x9FFFFFFF  }
0xc2: {  	(tm) =	ssettm $0x7FFFFFFF  }
0xc3: {  	_ =	shalt  }
tec
execute0_lowered:
.L_overlay_start_1:
0x0: {  	(tag) =	ssettag $0x1  }
0x1: {  	s0 =	srdreg.scid;
	s4 =	rddreg [dreg:$0x0]  }
0x2: {  	s28 =	stileid.u32;
	s7 =	rddreg [dreg:$0x1];
	s11 =	simm.s32 $0x2780  }
0x3: {  	s12 =	simm.s32 $0x4F00;
	s13 =	simm.s32 $0x7700;
	s14 =	simm.s32 $0x80  }
0x4: {  	s15 =	simm.s32 $0x400;
	s16 =	simm.s32 $0x1400;
	s17 =	simm.s32 $0x14000  }
0x5: {  	s18 =	simm.s32 $0x9F00;
	s20 =	simm.s32 $0xA300;
	s22 =	simm.s32 $0xA700  }
0x6: {  	s24 =	simm.s32 $0xAB00;
	s25 =	simm.s32 $0xAF00;
	s26 =	simm.s32 $0x0  }
0x7: {  	s1 =	sand.u32 $0x1, s0;
	s5 =	smul.u32 $0x500, s28;
	s29 =	sshrl.u32 s28, $0x3  }
0x8: {  	s10 =	smul.u32 $0x5000, s28;
	s31 =	sshll.u32 s28, $0x7;
	s2 =	sshll.u32 s1, $0x4  }
0x9: {  	s6 =	sshll.u32 s1, $0x7;
	s1 =	ssub.s32 $0x2, s1;
	s3 =	sor.u32 s28, s2  }
0xa: {  	s2 =	simm.s32 $0x0;
	s5 =	sor.u32 s6, s5;
	s6 =	smul.u32 $0x50000, s29  }
0xb: {  	s30 =	sshrl.u32 s1, $0x1;
	s10 =	sshrl.u32 s10, $0x2;
	s3 =	smul.u32 $0x2710, s3  }
0xc: {  	[smem:$0x7FF] =	sst s2;
	s5 =	sshrl.u32 s5, $0x3;
	s1 =	ssub.s32 s1, s30  }
0xd: {  	_ =	strace $0x8000004A;
	s9 =	sadd.s32 s5, s4;
	s6 =	sshrl.u32 s6, $0x2  }
0xe: {  	s3 =	sshrl.u32 s3, $0x3;
	s6 =	sadd.s32 s6, s7;
	s7 =	sadd.s32 s10, s7  }
0xf: {  	s10 =	simm.s32 $0x1;
	s8 =	sadd.s32 s3, s4;
	s3 =	sadd.s32 $0x15600, s4  }
0x10: {  	s4 =	sadd.s32 $0x1C00, s8;
	s5 =	sadd.s32 $0xB840, s8;
	s8 =	sand.u32 $0x380, s31  }
0x11: {  	s6 =	sadd.s32 s8, s6;
	s8 =	sadd.s32 $0x15C00, s9;
	s9 =	smax.u32 s1, $0x1  }
0x12: {  	v0 =	vimm.f32 $0.0e+00;
	s19 =	sadd.s32 $0x20, s8;
	s21 =	sadd.s32 $0x40, s8;
	s23 =	sadd.s32 $0x60, s8  }
.LBB2_1:
0x13: {  	[tilespmem:s2], [sflag:$0x1] =	stream.linear.gather [hbm4b:s4+s2], $0x2710, $0x38;
	[tilespmem:$0xEF00] =	vst v63  }
0x14: {  	_ =	swait.ge [sflag:s10], $0x2710  }
0x15: {  	[sflag:s10] =	ssyncset.done $0x0  }
0x16: {  	[sflag:s10] =	ssyncadd.s32 $0xFFFFD8F0  }
0x17: {  	[tilespmem:s11], [sflag:$0x1] =	stream.linear.gather [hbm4b:s5+s2], $0x2710, $0x38;
	[tilespmem:$0xEF00] =	vst v63  }
0x18: {  	_ =	swait.ge [sflag:s10], $0x2710  }
0x19: {  	[sflag:s10] =	ssyncset.done $0x0  }
0x1a: {  	[sflag:s10] =	ssyncadd.s32 $0xFFFFD8F0  }
0x1b: {  	[tilespmem:s12], [sflag:$0x1] =	stream.linear.gather [hbm4b:s3+s2], $0x2800, $0x38;
	[tilespmem:$0xEF00] =	vst v63  }
0x1c: {  	_ =	swait.ge [sflag:s10], $0x2800  }
0x1d: {  	[sflag:s10] =	ssyncset.done $0x0  }
0x1e: {  	s1 =	simm.s32 $0x0;
	[sflag:s10] =	ssyncadd.s32 $0xFFFFD800  }
.LBB2_2:
0x1f: {  	p0 =	sne.s32 s1, $0x9FC0  }
.Ltmp0:
0x20: {  	_ = 	snop;
	(pc) =	sbr.rel @p0 .LBB2_2-.Ltmp0, $3  }
0x21: {  	_ =	sdelay $0x1  }
0x22: {  	s28 =	sshra.s32 s1, $0x2  }
0x23: {  	s1 =	sadd.s32 $0x40, s1;
	[tilespmem:s28+$0x7700] =	vst v0  }
0x24: {  	s28 =	simm.s32 $0x0;
	s1 =	simm.s32 $0x40  }
.LBB2_4:
0x25: {  	p0 =	sne.s32 s1, $0x9C00;
	v1 =	vld [tilespmem:s28+$0x0];
	_ =	sdelay $0x5  }
0x26: {  	v2 =	vld [tilespmem:s28+$0x2780];
	_ =	sdelay $0x1  }
0x27: {  	v1 =	vld.idx.msk [tilespmem:v1+s12+$0x0], $0xffff;
	_ =	sdelay $0x1  }
.Ltmp1:
0x28: {  	(pc) =	sbr.rel @p0 .LBB2_4-.Ltmp1, $2  }
0x29: {  	_ =	sdelay $0x2  }
0x2a: {  	s28 =	sshra.s32 s1, $0x2;
	s1 =	sadd.s32 $0x40, s1;
	[tilespmem:v2+s13+$0x0] =	vst.idx.add.f32.msk $0xffff, v1  }
0x2b: {  	v1 =	vld [tilespmem:s28+$0x0];
	_ =	sdelay $0x4  }
0x2c: {  	v2 =	vld [tilespmem:s28+$0x2780];
	_ =	sdelay $0x2  }
0x2d: {  	v1 =	vld.idx.msk [tilespmem:v1+s12+$0x0], $0xffff;
	_ =	sdelay $0x4  }
0x2e: {  	[tilespmem:v2+s13+$0x0] =	vst.idx.add.f32.msk $0xffff, v1  }
0x2f: {  	[spmem:s6] =	stream.strided.scatter [tilespmem:s13], [sflag:$0x1], $0x2800, s15, s14, $0x38;
	[tilespmem:$0xEF00] =	vst v63  }
0x30: {  	_ =	swait.ge [sflag:s10], $0x2800  }
0x31: {  	[sflag:s10] =	ssyncset.done $0x0  }
0x32: {  	[sflag:s10] =	ssyncadd.s32 $0xFFFFD800  }
0x33: {  	[bflag:$0x0] =	sbarrier.arrive $0xFFFF  }
0x34: {  	[tilespmem:s18], [sflag:$0x1] =	stream.strided.gather [spmem:s7], $0x2800, s17, s16, $0x38;
	[tilespmem:$0xEF00] =	vst v63  }
0x35: {  	s1 =	simm.s32 $0x0;
	_ =	swait.ge [sflag:s10], $0x2800  }
0x36: {  	s28 =	sand.u32 $0x70, s1;
	s29 =	sand.u32 $0x1C00, s1;
	[sflag:s10] =	ssyncset.done $0x0  }
0x37: {  	s28 =	sor.u32 s28, s29;
	[sflag:s10] =	ssyncadd.s32 $0xFFFFD800  }
0x38: {  	v1 =	vld [tilespmem:s28+$0x9F80]  }
0x39: {  	v2 =	vld [tilespmem:s28+$0x9F00];
	_ =	sdelay $0x1  }
0x3a: {  	v3 =	vld [tilespmem:s28+$0xA000];
	_ =	sdelay $0x1  }
0x3b: {  	v4 =	vld [tilespmem:s28+$0xA080]  }
0x3c: {  	v1 =	vadd.f32 v1, v2  }
0x3d: {  	v2 =	vld [tilespmem:s28+$0xA100]  }
0x3e: {  	v1 =	vadd.f32 v3, v1  }
0x3f: {  	v3 =	vld [tilespmem:s28+$0xA180]  }
0x40: {  	v1 =	vadd.f32 v4, v1  }
0x41: {  	s1 =	sor.u32 s1, s1;
	v60 =	vld [tilespmem:s28+$0xA200]  }
0x42: {  	s1 =	sor.u32 $0x380, s1;
	v1 =	vadd.f32 v2, v1  }
0x43: {  	v2 =	vld [tilespmem:s1+$0x9F00]  }
0x44: {  	v1 =	vadd.f32 v3, v1  }
0x45: {  	v3 =	vld [tilespmem:s28+$0xB300]  }
0x46: {  	v1 =	vadd.f32 v60, v1  }
0x47: {  	v61 =	vld [tilespmem:s28+$0xB380]  }
0x48: {  	v1 =	vadd.f32 v2, v1  }
0x49: {  	v2 =	vld [tilespmem:s28+$0xB400]  }
0x4a: {  	v1 =	vadd.f32 v3, v1  }
0x4b: {  	v3 =	vld [tilespmem:s28+$0xB480]  }
0x4c: {  	v1 =	vadd.f32 v61, v1  }
0x4d: {  	v62 =	vld [tilespmem:s28+$0xB500]  }
0x4e: {  	v1 =	vadd.f32 v2, v1  }
0x4f: {  	v2 =	vld [tilespmem:s28+$0xB580]  }
0x50: {  	v1 =	vadd.f32 v3, v1  }
0x51: {  	v3 =	vld [tilespmem:s28+$0xB600]  }
0x52: {  	v1 =	vadd.f32 v62, v1  }
0x53: {  	v63 =	vld [tilespmem:s28+$0xB680]  }
0x54: {  	v1 =	vadd.f32 v2, v1;
	_ =	sdelay $0x1  }
0x55: {  	v1 =	vadd.f32 v3, v1  }
0x56: {  	s30 =	simm.s32 $0x80;
	s29 =	simm.s32 $0x10  }
0x57: {  	s31 =	sand.u32 $0x1C00, s30;
	s0 =	sand.u32 $0x70, s29;
	v1 =	vadd.f32 v63, v1  }
0x58: {  	s1 =	sor.u32 s0, s31;
	s31 =	simm.s32 $0x20  }
.LBB2_6:
0x59: {  	p0 =	sne.s32 s31, $0x270;
	v2 =	vld [tilespmem:s1+$0x9F80];
	[tilespmem:s28+$0x9F00] =	vst v1;
	s28 =	smov.u32 s1  }
0x5a: {  	v1 =	vld [tilespmem:s28+$0x9F00];
	_ =	sdelay $0x1  }
0x5b: {  	v3 =	vld [tilespmem:s28+$0xA000];
	_ =	sdelay $0x1  }
0x5c: {  	v4 =	vld [tilespmem:s28+$0xA080]  }
0x5d: {  	v1 =	vadd.f32 v2, v1  }
0x5e: {  	v2 =	vld [tilespmem:s28+$0xA100]  }
0x5f: {  	v1 =	vadd.f32 v3, v1  }
0x60: {  	v3 =	vld [tilespmem:s28+$0xA180]  }
0x61: {  	v1 =	vadd.f32 v4, v1  }
0x62: {  	s1 =	sor.u32 s30, s29;
	s29 =	smov.u32 s31;
	v4 =	vld [tilespmem:s28+$0xA200]  }
0x63: {  	s1 =	sor.u32 $0x380, s1;
	v1 =	vadd.f32 v2, v1  }
0x64: {  	v2 =	vld [tilespmem:s1+$0x9F00]  }
0x65: {  	v1 =	vadd.f32 v3, v1  }
0x66: {  	v3 =	vld [tilespmem:s28+$0xB300]  }
0x67: {  	v1 =	vadd.f32 v4, v1  }
0x68: {  	v4 =	vld [tilespmem:s28+$0xB380]  }
0x69: {  	v1 =	vadd.f32 v2, v1  }
0x6a: {  	v2 =	vld [tilespmem:s28+$0xB400]  }
0x6b: {  	v1 =	vadd.f32 v3, v1  }
0x6c: {  	v3 =	vld [tilespmem:s28+$0xB480]  }
0x6d: {  	v1 =	vadd.f32 v4, v1  }
0x6e: {  	v4 =	vld [tilespmem:s28+$0xB500]  }
0x6f: {  	v1 =	vadd.f32 v2, v1  }
0x70: {  	v2 =	vld [tilespmem:s28+$0xB580]  }
0x71: {  	v1 =	vadd.f32 v3, v1  }
0x72: {  	v3 =	vld [tilespmem:s28+$0xB600]  }
0x73: {  	v1 =	vadd.f32 v4, v1  }
0x74: {  	v4 =	vld [tilespmem:s28+$0xB680]  }
0x75: {  	v1 =	vadd.f32 v2, v1  }
.Ltmp2:
0x76: {  	(pc) =	sbr.rel @p0 .LBB2_6-.Ltmp2, $4  }
0x77: {  	v1 =	vadd.f32 v3, v1  }
0x78: {  	s30 =	sadd.s32 $0x80, s30  }
0x79: {  	s0 =	sand.u32 $0x1C00, s30;
	s1 =	sand.u32 $0x70, s31;
	v1 =	vadd.f32 v4, v1  }
0x7a: {  	s31 =	sadd.s32 $0x10, s31;
	s1 =	sor.u32 s1, s0  }
0x7b: {  	v2 =	vld [tilespmem:s1+$0x9F80];
	[tilespmem:s28+$0x9F00] =	vst v1  }
0x7c: {  	v1 =	vld [tilespmem:s1+$0x9F00];
	_ =	sdelay $0x1  }
0x7d: {  	v3 =	vld [tilespmem:s1+$0xA000];
	_ =	sdelay $0x1  }
0x7e: {  	v4 =	vld [tilespmem:s1+$0xA080]  }
0x7f: {  	v1 =	vadd.f32 v2, v1  }
0x80: {  	v2 =	vld [tilespmem:s1+$0xA100]  }
0x81: {  	v1 =	vadd.f32 v3, v1  }
0x82: {  	v3 =	vld [tilespmem:s1+$0xA180]  }
0x83: {  	v1 =	vadd.f32 v4, v1  }
0x84: {  	v60 =	vld [tilespmem:s1+$0xA200];
	s0 =	sor.u32 s30, s29  }
0x85: {  	s0 =	sor.u32 $0x380, s0;
	v1 =	vadd.f32 v2, v1  }
0x86: {  	v2 =	vld [tilespmem:s0+$0x9F00]  }
0x87: {  	v1 =	vadd.f32 v3, v1  }
0x88: {  	v3 =	vld [tilespmem:s1+$0xB300]  }
0x89: {  	v1 =	vadd.f32 v60, v1  }
0x8a: {  	v61 =	vld [tilespmem:s1+$0xB380]  }
0x8b: {  	v1 =	vadd.f32 v2, v1  }
0x8c: {  	v2 =	vld [tilespmem:s1+$0xB400]  }
0x8d: {  	v1 =	vadd.f32 v3, v1  }
0x8e: {  	v3 =	vld [tilespmem:s1+$0xB480]  }
0x8f: {  	v1 =	vadd.f32 v61, v1  }
0x90: {  	v62 =	vld [tilespmem:s1+$0xB500]  }
0x91: {  	v1 =	vadd.f32 v2, v1  }
0x92: {  	v2 =	vld [tilespmem:s1+$0xB580]  }
0x93: {  	v1 =	vadd.f32 v3, v1  }
0x94: {  	v3 =	vld [tilespmem:s1+$0xB600]  }
0x95: {  	v1 =	vadd.f32 v62, v1  }
0x96: {  	v63 =	vld [tilespmem:s1+$0xB680]  }
0x97: {  	v1 =	vadd.f32 v2, v1;
	_ =	sdelay $0x1  }
0x98: {  	v1 =	vadd.f32 v3, v1;
	_ =	sdelay $0x1  }
0x99: {  	v1 =	vadd.f32 v63, v1;
	_ =	sdelay $0x1  }
0x9a: {  	[tilespmem:s1+$0x9F00] =	vst v1  }
0x9b: {  	[hbm4b:s8+s2] =	stream.linear.scatter [tilespmem:s18], [sflag:$0x1], $0x80, $0x38;
	[tilespmem:$0xEF00] =	vst v63  }
0x9c: {  	_ = 	snop  }
0x9d: {  	[hbm4b:s19+s2] =	stream.linear.scatter [tilespmem:s20], [sflag:$0x1], $0x80, $0x38;
	[tilespmem:$0xEF00] =	vst v63  }
0x9e: {  	s26 =	sadd.s32 $0x1, s26  }
0x9f: {  	[hbm4b:s21+s2] =	stream.linear.scatter [tilespmem:s22], [sflag:$0x1], $0x80, $0x38;
	[tilespmem:$0xEF00] =	vst v63  }
0xa0: {  	p0 =	sne.s32 s26, s9  }
0xa1: {  	[hbm4b:s23+s2] =	stream.linear.scatter [tilespmem:s24], [sflag:$0x1], $0x80, $0x38;
	[tilespmem:$0xEF00] =	vst v63  }
.Ltmp3:
0xa2: {  	s31 =	sadd.s32 $0x80, s8;
	(pc) =	sbr.rel @p0 .LBB2_1-.Ltmp3, $4  }
0xa3: {  	[hbm4b:s31+s2] =	stream.linear.scatter [tilespmem:s25], [sflag:$0x1], $0x80, $0x38;
	[tilespmem:$0xEF00] =	vst v63  }
0xa4: {  	_ =	swait.ge [sflag:s10], $0x280  }
0xa5: {  	[sflag:s10] =	ssyncset.done $0x0  }
0xa6: {  	[sflag:s10] =	ssyncadd.s32 $0xFFFFFD80  }
0xa7: {  	_ =	sfence.sel $0x180000  }
0xa8: {  	[bflag:$0x0] =	sbarrier.arrive $0xFFFF  }
0xa9: {  	_ =	strace $0x9000004A  }
0xaa: {  	s0 =	stileid.u32;
	[bflag:$0x2] =	sbarrier.arrive $0xFFFF  }
0xab: {  	p0 =	sne.s32 s0, $0x0;
	s0 =	rddreg [dreg:$0x2]  }
0xac: {  	s0 =	sadd.s32 @!p0 $0x100000, s0  }
0xad: {  	[sflag:s0] =	ssyncadd.tile.s32 @!p0 $0x1;
	_ =	shalt  }
.Lfunc_end2:
_tile_overlayer_lowered:
.L_overlay_start_2:
0xae: {  	(tag) =	ssettag $0x2  }
0xaf: {  	s0 =	rddreg [dreg:$0x0];
	s2 =	stileid.u32  }
0xb0: {  	s1 =	rddreg [dreg:$0x1];
	p0 =	sne.s32 s2, $0x0  }
0xb1: {  	s3 =	rddreg [dreg:$0x2];
	[bflag:$0x3] =	sbarrier.arrive $0xFFFF;
	s2 =	simm.s32 @!p0 $0x1C01  }
0xb2: {  	[timem:s3], [sflag:s2] =	dma.local @!p0 [hbm:s0], s1  }
0xb3: {  	s0 =	simm.s32 @!p0 $0x1  }
0xb4: {  	_ =	swait.ge @!p0 [sflag:s0], s1  }
0xb5: {  	s1 =	ssub.s32 @!p0 $0x0, s1;
	[sflag:s0] =	ssyncset.done @!p0 $0x0  }
0xb6: {  	[sflag:s0] =	ssyncadd.s32 @!p0 s1  }
0xb7: {  	[bflag:$0x3] =	sbarrier.arrive $0xFFFF  }
0xb8: {  	_ =	shalt  }

// kernel: kernel.7.cloned.1.call-start
scs
__scs_entry_jumppad:
0x0: {  	(pc) =	sbr.rel $0x88, $3  }
0x1: {  	(tag) =	ssettag $0x0;
	lr =	simm.s32 $0x1  }
0x2: {  	[smem:$0x3F9B] =	sst lr;
	_ =	strace $0xD0000000  }
0x3: {  	_ = 	snop  }
0x4: {  	_ = 	snop  }
0x5: {  	_ = 	snop  }
0x6: {  	_ = 	snop  }
0x7: {  	_ = 	snop  }
__scs_overlays_trampoline_lowered:
0x8: {  	[smem:$0x3FAA] =	sst s0  }
0x9: {  	[smem:$0x3FAB] =	sst s1  }
0xa: {  	[smem:$0x3FAC] =	sst s2  }
0xb: {  	[smem:$0x3FAD] =	sst s3  }
0xc: {  	[smem:$0x3FAE] =	sst s4  }
0xd: {  	[smem:$0x3FAF] =	sst s5  }
0xe: {  	[smem:$0x3FB0] =	sst s6  }
0xf: {  	[smem:$0x3FB1] =	sst s7  }
0x10: {  	[smem:$0x3FB2] =	sst s8  }
0x11: {  	[smem:$0x3FB3] =	sst s9;
	s0 =	simm.s32 @!p0 $0x0  }
0x12: {  	s1 =	sld [smem:$0x3F99];
	s0 =	simm.s32 @p0 $0x1  }
0x13: {  	[smem:$0x3FB4] =	sst s0;
	s0 =	simm.s32 @!p1 $0x0  }
0x14: {  	s2 =	sld [smem:$0x3F98];
	s0 =	simm.s32 @p1 $0x1  }
0x15: {  	[smem:$0x3FB5] =	sst s0;
	s0 =	simm.s32 @!p2 $0x0  }
0x16: {  	s3 =	sld [smem:$0x3FDB];
	s0 =	simm.s32 @p2 $0x1  }
0x17: {  	s4 =	simm.s32 $0x1BF5;
	[smem:$0x3FB7] =	sst s0  }
0x18: {  	s0 =	sld [smem:$0x3F9A];
	_ =	swait.ge [sflag:s4], $0x0  }
0x19: {  	s7 =	sld [smem:$0x3F9B]  }
0x1a: {  	s8 =	sadd.s32 $0xFFFFE003, lr  }
0x1b: {  	s9 =	sadd.s32 $0xFFFFFEF7, lr;
	s5 =	simm.s32 $0xFFFFFFFF;
	p2 =	slt.u32 s8, $0xFFFFF086  }
0x1c: {  	p1 =	slt.u32 s9, $0xF7A;
	s5 =	simm.s32 @!p2 $0x0  }
0x1d: {  	s5 =	simm.s32 @p1 $0x1;
	p0 =	seq.s32 s7, s2  }
0x1e: {  	s7 =	smul.u32 @!p0 $0xF7A, s2;
	p2 =	seq.s32 @!p0 s5, $0x0  }
0x1f: {  	s9 =	smul.u32 $0xF7A, s1;
	s8 =	simm.s32 @!p0 $0x1BF5;
	p2 =	por !p2, p0  }
0x20: {  	[sflag:s8] =	ssyncset.s32 @!p0 $0xFFFFF086;
	s6 =	sadd.s32 @!p0 s3, s7;
	s7 =	simm.s32 @!p0 $0x108  }
0x21: {  	s3 =	sadd.s32 s3, s9;
	s6 =	sadd.s32 @!p0 $0x88, s6;
	s7 =	simm.s32 @p2 $0x1082  }
0x22: {  	[simem:s7], [sflag:s8] =	dma.local @!p0 [hbm:s6], $0xF7A  }
0x23: {  	s9 =	sor.u32 $0xD0000000, s2;
	s6 =	simm.s32 $0x108;
	_ =	swait.ge @!p0 [sflag:s8], $0x0  }
0x24: {  	s3 =	sadd.s32 $0x88, s3;
	s6 =	simm.s32 @!p1 $0x1082;
	[sflag:s4] =	ssyncset.s32 $0xFFFFF086  }
0x25: {  	[simem:s6], [sflag:s4] =	dma.local [hbm:s3], $0xF7A  }
0x26: {  	[smem:$0x3F9B] =	sst s1;
	(tag) =	ssettag s2;
	_ =	strace s9  }
0x27: {  	s1 =	sld [smem:$0x3FAB]  }
0x28: {  	s2 =	sld [smem:$0x3FAC]  }
0x29: {  	s4 =	sld [smem:$0x3FAE]  }
0x2a: {  	p0 =	seq.s32 s5, $0x0;
	s5 =	sld [smem:$0x3FAF]  }
0x2b: {  	s6 =	sld [smem:$0x3FB0]  }
0x2c: {  	s7 =	sld [smem:$0x3FB1]  }
0x2d: {  	s3 =	simm.s32 $0x108;
	s8 =	sld [smem:$0x3FB2]  }
0x2e: {  	s3 =	simm.s32 @!p0 $0x1082;
	s9 =	sld [smem:$0x3FB3]  }
0x2f: {  	lr =	sadd.s32 s0, s3;
	s0 =	sld [smem:$0x3FAA]  }
0x30: {  	s3 =	sld [smem:$0x3FAD]  }
0x31: {  	[smem:$0x3FB6] =	sst s10  }
0x32: {  	s10 =	sld [smem:$0x3FB4];
	_ =	sdelay $0x3  }
0x33: {  	p0 =	seq.s32 s10, $0x1;
	s10 =	sld [smem:$0x3FB6];
	_ =	sdelay $0x3  }
0x34: {  	[smem:$0x3FB6] =	sst s10  }
0x35: {  	s10 =	sld [smem:$0x3FB5];
	_ =	sdelay $0x3  }
0x36: {  	p1 =	seq.s32 s10, $0x1;
	s10 =	sld [smem:$0x3FB6];
	_ =	sdelay $0x3  }
0x37: {  	[smem:$0x3FB6] =	sst s10  }
0x38: {  	s10 =	sld [smem:$0x3FB7]  }
0x39: {  	_ = 	snop;
	(pc) =	sbr.ind lr, $3  }
0x3a: {  	_ = 	snop  }
0x3b: {  	_ = 	snop  }
0x3c: {  	p2 =	seq.s32 s10, $0x1;
	s10 =	sld [smem:$0x3FB6]  }
0x3d: {  	_ =	shalt  }
0x3e: {  	_ =	shalt  }
0x3f: {  	_ =	shalt  }
0x40: {  	_ =	shalt  }
0x41: {  	_ =	shalt  }
0x42: {  	_ =	shalt  }
0x43: {  	_ =	shalt  }
0x44: {  	_ =	shalt  }
0x45: {  	_ =	shalt  }
0x46: {  	_ =	shalt  }
0x47: {  	_ =	shalt  }
0x48: {  	_ =	shalt  }
0x49: {  	_ =	shalt  }
0x4a: {  	_ =	shalt  }
0x4b: {  	_ =	shalt  }
0x4c: {  	_ =	shalt  }
0x4d: {  	_ =	shalt  }
0x4e: {  	_ =	shalt  }
0x4f: {  	_ =	shalt  }
0x50: {  	_ =	shalt  }
0x51: {  	_ =	shalt  }
0x52: {  	_ =	shalt  }
0x53: {  	_ =	shalt  }
0x54: {  	_ =	shalt  }
0x55: {  	_ =	shalt  }
0x56: {  	_ =	shalt  }
0x57: {  	_ =	shalt  }
0x58: {  	_ =	shalt  }
0x59: {  	_ =	shalt  }
0x5a: {  	_ =	shalt  }
0x5b: {  	_ =	shalt  }
0x5c: {  	_ =	shalt  }
0x5d: {  	_ =	shalt  }
0x5e: {  	_ =	shalt  }
0x5f: {  	_ =	shalt  }
0x60: {  	_ =	shalt  }
0x61: {  	_ =	shalt  }
0x62: {  	_ =	shalt  }
0x63: {  	_ =	shalt  }
0x64: {  	_ =	shalt  }
0x65: {  	_ =	shalt  }
0x66: {  	_ =	shalt  }
0x67: {  	_ =	shalt  }
0x68: {  	_ =	shalt  }
0x69: {  	_ =	shalt  }
0x6a: {  	_ =	shalt  }
0x6b: {  	_ =	shalt  }
0x6c: {  	_ =	shalt  }
0x6d: {  	_ =	shalt  }
0x6e: {  	_ =	shalt  }
0x6f: {  	_ =	shalt  }
0x70: {  	_ =	shalt  }
0x71: {  	_ =	shalt  }
0x72: {  	_ =	shalt  }
0x73: {  	_ =	shalt  }
0x74: {  	_ =	shalt  }
0x75: {  	_ =	shalt  }
0x76: {  	_ =	shalt  }
0x77: {  	_ =	shalt  }
0x78: {  	_ =	shalt  }
0x79: {  	_ =	shalt  }
0x7a: {  	_ =	shalt  }
0x7b: {  	_ =	shalt  }
0x7c: {  	_ =	shalt  }
0x7d: {  	_ =	shalt  }
0x7e: {  	_ =	shalt  }
0x7f: {  	_ =	shalt  }
0x80: {  	_ =	shalt  }
0x81: {  	_ =	shalt  }
0x82: {  	_ =	shalt  }
0x83: {  	_ =	shalt  }
0x84: {  	_ =	shalt  }
0x85: {  	_ =	shalt  }
0x86: {  	_ =	shalt  }
0x87: {  	_ =	shalt  }
.Lfunc_end0:
.L_simem_size_0:
called_computation_lowered:
.L_overlay_start_0:
0x88: {  	s2 =	sld [smem:$0x3FD9]  }
0x89: {  	s3 =	sld [smem:$0x3FFE];
	_ =	sdelay $0x1  }
0x8a: {  	s1 =	srdreg.scid  }
0x8b: {  	s0 =	sand.u32 $0x1, s1  }
0x8c: {  	s16 =	sshll.u32 s0, $0xA;
	s2 =	sadd.s32 s3, s2  }
0x8d: {  	s2 =	sadd.s32 s2, s16  }
0x8e: {  	[smem:$0x3FC2] =	sst s2  }
0x8f: {  	_ = 	snop  }
0x90: {  	(tm) =	ssettm $0x1  }
0x91: {  	s17 =	sld [smem:$0x3FFB];
	_ =	sdelay $0x3  }
0x92: {  	_ =	strace s17  }
0x93: {  	s2 =	sld [smem:$0x3FFC];
	_ =	sdelay $0x3  }
0x94: {  	_ =	strace s2  }
0x95: {  	s2 =	sld [smem:$0x3FFD];
	_ =	sdelay $0x3  }
0x96: {  	_ =	strace s2  }
0x97: {  	_ =	strace $0x8FFFFFFF  }
0x98: {  	s18 =	sld [smem:$0x3FDB];
	_ =	sdelay $0x1  }
0x99: {  	s19 =	simm.s32 $_scs_section_size  }
0x9a: {  	s4 =	simm.s32 $_size__tile_overlayer_lowered;
	s5 =	simm.s32 $_tile_overlayer_lowered  }
0x9b: {  	s22 =	simm.s32 $0x1BFF;
	s21 =	sshll.u32 s5, $0x1;
	s2 =	sadd.s32 s19, s18  }
0x9c: {  	s6 =	simm.s32 $0x0;
	s20 =	sshll.u32 s4, $0x1;
	s4 =	sadd.s32 s21, s2  }
0x9d: {  	[timem:s6], [sflag:s22] =	dma.local [hbm:s4], s20  }
0x9e: {  	_ =	swait.ge [sflag:s22], s20  }
0x9f: {  	s3 =	ssub.s32 $0x0, s20;
	[sflag:s22] =	ssyncset.done $0x0  }
0xa0: {  	[sflag:s22] =	ssyncadd.s32 s3;
	_ =	sdelay $0x1  }
0xa1: {  	s23 =	simm.s32 $0x1B8B  }
0xa2: {  	_ =	swait.ge [sflag:s23], $0x1  }
0xa3: {  	[sflag:s23] =	ssyncset.done $0x0  }
0xa4: {  	s25 =	simm.s32 $0x1B8E;
	s24 =	sld [smem:$0x3FFE];
	[sflag:s23] =	ssyncadd.s32 $0xFFFFFFFF  }
0xa5: {  	s26 =	simm.s32 $execute0_lowered;
	[smem:$0x3FD2] =	sst s25  }
0xa6: {  	s4 =	sshll.u32 s26, $0x1;
	_ =	strace $0x80000046;
	[dreg:$0x1] =	wrdreg $0xFFFFFFFF  }
0xa7: {  	s28 =	simm.s32 $_size_execute0_lowered;
	s2 =	sadd.s32 s2, s4;
	[dreg:$0x0] =	wrdreg $0x0  }
0xa8: {  	s4 =	sshll.u32 s28, $0x1;
	[dreg:$0x2] =	wrdreg s2  }
0xa9: {  	[dreg:$0x3] =	wrdreg s4  }
0xaa: {  	[dreg:$0x4] =	wrdreg $0xC0  }
0xab: {  	_ =	task [dreg:s6], $0x5FFFF  }
0xac: {  	[dreg:$0x1] =	wrdreg $0xFFFFFFFF  }
0xad: {  	[dreg:$0x0] =	wrdreg $0x60  }
0xae: {  	[dreg:$0x2] =	wrdreg s24  }
0xaf: {  	[dreg:$0x3] =	wrdreg $0x77800  }
0xb0: {  	[dreg:$0x4] =	wrdreg $0x9  }
0xb1: {  	_ =	task.clear_ibuf [dreg:s6], $0x5FFFF;
	_ =	strace $0x90000046  }
0xb2: {  	s29 =	simm.s32 $0x9;
	_ =	strace $0x80000048  }
0xb3: {  	_ =	swait.ge [sflag:s29], $0x1  }
0xb4: {  	[sflag:s29] =	ssyncadd.s32 $0xFFFFFFFF  }
0xb5: {  	_ =	strace $0x90000048  }
0xb6: {  	_ =	sfence  }
0xb7: {  	s30 =	sld [smem:$0x0];
	_ =	sdelay $0x2  }
0xb8: {  	s31 =	sshll.u32 s1, $0xD;
	s1 =	sshrl.u32 s1, $0x2  }
0xb9: {  	s3 =	sand.u32 $0x4000, s31;
	s1 =	sadd.s32 s1, s30  }
0xba: {  	s0 =	sor.u32 s3, s0;
	s1 =	sshll.u32 s1, $0x11  }
0xbb: {  	s0 =	sor.u32 s1, s0  }
0xbc: {  	s0 =	sadd.s32 $0x8F2B, s0  }
0xbd: {  	[sflag:s0] =	ssyncadd.remote.s32 $0x1  }
0xbe: {  	_ =	sfence.sel $0xFFFF  }
0xbf: {  	[dreg:$0x0] =	wrdreg $0xFFFFFFFF;
	(pc) =	sbr.abs _section_cstart, $3  }
0xc0: {  	[dreg:$0x1] =	wrdreg $0xFFFFFFFF  }
0xc1: {  	_ =	task.clear_ibuf [dreg:s6], $0x2FFFF;
	_ =	strace $0x9FFFFFFF  }
0xc2: {  	(tm) =	ssettm $0x7FFFFFFF  }
0xc3: {  	_ =	shalt  }
tec
execute0_lowered:
.L_overlay_start_1:
0x0: {  	(tag) =	ssettag $0x1  }
0x1: {  	s3 =	rddreg [dreg:$0x0]  }
0x2: {  	s1 =	srdreg.scid;
	s0 =	stileid.u32  }
0x3: {  	s5 =	rddreg [dreg:$0x1];
	s2 =	simm.s32 $0x0;
	s10 =	simm.s32 $0x80  }
0x4: {  	s11 =	simm.s32 $0x400;
	s12 =	simm.s32 $0x1400;
	s13 =	simm.s32 $0x14000  }
0x5: {  	s14 =	simm.s32 $0x4F80;
	s16 =	simm.s32 $0x5380;
	s18 =	simm.s32 $0x5780  }
0x6: {  	s20 =	simm.s32 $0x5B80;
	s22 =	simm.s32 $0x5F80;
	s23 =	simm.s32 $0x0  }
0x7: {  	s4 =	sand.u32 $0x1, s1;
	s6 =	smul.u32 $0x500, s0;
	s1 =	rddreg [dreg:$0x2]  }
0x8: {  	[smem:$0x7FF] =	sst s2;
	s8 =	sshrl.u32 s0, $0x3;
	s30 =	smul.u32 $0x5000, s0  }
0x9: {  	s31 =	sshll.u32 s0, $0x7;
	s7 =	sshll.u32 s4, $0x7;
	s28 =	sshll.u32 s4, $0x4  }
0xa: {  	_ =	strace $0x80000047;
	s4 =	ssub.s32 $0x2, s4;
	s8 =	smul.u32 $0x50000, s8  }
0xb: {  	s6 =	sor.u32 s7, s6;
	s7 =	sor.u32 s0, s28;
	s9 =	sshrl.u32 s4, $0x1  }
0xc: {  	s6 =	sshrl.u32 s6, $0x3;
	s7 =	smul.u32 $0x2710, s7;
	s9 =	ssub.s32 s4, s9  }
0xd: {  	s8 =	sshrl.u32 s8, $0x2;
	s4 =	sand.u32 $0x380, s31;
	s6 =	sadd.s32 s6, s3  }
0xe: {  	s8 =	sadd.s32 s8, s5;
	s29 =	sshrl.u32 s7, $0x3;
	s7 =	sshrl.u32 s30, $0x2  }
0xf: {  	s4 =	sadd.s32 s4, s8;
	s6 =	sadd.s32 $0x15600, s6;
	s8 =	simm.s32 $0x1  }
0x10: {  	s3 =	sadd.s32 s3, s29;
	s5 =	sadd.s32 s7, s5;
	s7 =	smax.u32 s9, $0x1  }
0x11: {  	s9 =	simm.s32 $0x2780;
	s15 =	sadd.s32 $0x20, s6;
	s17 =	sadd.s32 $0x40, s6  }
0x12: {  	v0 =	vimm.f32 $0.0e+00;
	v1 =	vimm.f32 $1.000000000e+00;
	s19 =	sadd.s32 $0x60, s6;
	s21 =	sadd.s32 $0x80, s6;
	s3 =	sadd.s32 $0xB840, s3  }
.LBB2_1:
0x13: {  	[tilespmem:s2], [sflag:$0x1] =	stream.linear.gather [hbm4b:s3+s2], $0x2710, $0x38;
	[tilespmem:$0x9F80] =	vst v63  }
0x14: {  	_ =	swait.ge [sflag:s8], $0x2710  }
0x15: {  	[sflag:s8] =	ssyncset.done $0x0  }
0x16: {  	s24 =	simm.s32 $0x0;
	[sflag:s8] =	ssyncadd.s32 $0xFFFFD8F0  }
.LBB2_2:
0x17: {  	p0 =	sne.s32 s24, $0x9FC0  }
.Ltmp0:
0x18: {  	_ = 	snop;
	(pc) =	sbr.rel @p0 .LBB2_2-.Ltmp0, $3  }
0x19: {  	_ =	sdelay $0x1  }
0x1a: {  	s25 =	sshra.s32 s24, $0x2  }
0x1b: {  	s24 =	sadd.s32 $0x40, s24;
	[tilespmem:s25+$0x2780] =	vst v0  }
0x1c: {  	s25 =	simm.s32 $0x0;
	s24 =	simm.s32 $0x40  }
.LBB2_4:
0x1d: {  	p0 =	sne.s32 s24, $0x9C00;
	v2 =	vld [tilespmem:s25+$0x0];
	_ =	sdelay $0x3  }
.Ltmp1:
0x1e: {  	(pc) =	sbr.rel @p0 .LBB2_4-.Ltmp1, $2  }
0x1f: {  	_ =	sdelay $0x2  }
0x20: {  	s25 =	sshra.s32 s24, $0x2;
	s24 =	sadd.s32 $0x40, s24;
	[tilespmem:v2+s9+$0x0] =	vst.idx.add.f32.msk $0xffff, v1  }
0x21: {  	v2 =	vld [tilespmem:s25+$0x0];
	_ =	sdelay $0x7  }
0x22: {  	[tilespmem:v2+s9+$0x0] =	vst.idx.add.f32.msk $0xffff, v1  }
0x23: {  	[spmem:s4] =	stream.strided.scatter [tilespmem:s9], [sflag:$0x1], $0x2800, s11, s10, $0x38;
	[tilespmem:$0x9F80] =	vst v63  }
0x24: {  	_ =	swait.ge [sflag:s8], $0x2800  }
0x25: {  	[sflag:s8] =	ssyncset.done $0x0  }
0x26: {  	[sflag:s8] =	ssyncadd.s32 $0xFFFFD800  }
0x27: {  	[bflag:$0x0] =	sbarrier.arrive $0xFFFF  }
0x28: {  	[tilespmem:s14], [sflag:$0x1] =	stream.strided.gather [spmem:s5], $0x2800, s13, s12, $0x38;
	[tilespmem:$0x9F80] =	vst v63  }
0x29: {  	s31 =	simm.s32 $0x0;
	_ =	swait.ge [sflag:s8], $0x2800  }
0x2a: {  	s24 =	sand.u32 $0x70, s31;
	s26 =	sand.u32 $0x1C00, s31;
	[sflag:s8] =	ssyncset.done $0x0  }
0x2b: {  	s24 =	sor.u32 s24, s26;
	[sflag:s8] =	ssyncadd.s32 $0xFFFFD800  }
0x2c: {  	v2 =	vld [tilespmem:s24+$0x5000]  }
0x2d: {  	v3 =	vld [tilespmem:s24+$0x4F80];
	_ =	sdelay $0x1  }
0x2e: {  	v4 =	vld [tilespmem:s24+$0x5080];
	_ =	sdelay $0x1  }
0x2f: {  	v5 =	vld [tilespmem:s24+$0x5100]  }
0x30: {  	v2 =	vadd.f32 v2, v3  }
0x31: {  	v3 =	vld [tilespmem:s24+$0x5180]  }
0x32: {  	v2 =	vadd.f32 v4, v2  }
0x33: {  	v56 =	vld [tilespmem:s24+$0x5200]  }
0x34: {  	v2 =	vadd.f32 v5, v2  }
0x35: {  	s25 =	sor.u32 s31, s31;
	v57 =	vld [tilespmem:s24+$0x5280]  }
0x36: {  	s25 =	sor.u32 $0x380, s25;
	v2 =	vadd.f32 v3, v2  }
0x37: {  	v3 =	vld [tilespmem:s25+$0x4F80]  }
0x38: {  	v2 =	vadd.f32 v56, v2  }
0x39: {  	v58 =	vld [tilespmem:s24+$0x6380]  }
0x3a: {  	v2 =	vadd.f32 v57, v2  }
0x3b: {  	v59 =	vld [tilespmem:s24+$0x6400]  }
0x3c: {  	v2 =	vadd.f32 v3, v2  }
0x3d: {  	v3 =	vld [tilespmem:s24+$0x6480]  }
0x3e: {  	v2 =	vadd.f32 v58, v2  }
0x3f: {  	v60 =	vld [tilespmem:s24+$0x6500]  }
0x40: {  	v2 =	vadd.f32 v59, v2  }
0x41: {  	v61 =	vld [tilespmem:s24+$0x6580]  }
0x42: {  	v2 =	vadd.f32 v3, v2  }
0x43: {  	v3 =	vld [tilespmem:s24+$0x6600]  }
0x44: {  	v2 =	vadd.f32 v60, v2  }
0x45: {  	v62 =	vld [tilespmem:s24+$0x6680]  }
0x46: {  	v2 =	vadd.f32 v61, v2  }
0x47: {  	v63 =	vld [tilespmem:s24+$0x6700]  }
0x48: {  	v2 =	vadd.f32 v3, v2;
	_ =	sdelay $0x1  }
0x49: {  	v2 =	vadd.f32 v62, v2  }
0x4a: {  	s26 =	simm.s32 $0x80;
	s25 =	simm.s32 $0x10  }
0x4b: {  	s29 =	sand.u32 $0x1C00, s26;
	s28 =	sand.u32 $0x70, s25;
	v2 =	vadd.f32 v63, v2  }
0x4c: {  	s29 =	sor.u32 s28, s29;
	s28 =	simm.s32 $0x20  }
.LBB2_6:
0x4d: {  	p0 =	sne.s32 s28, $0x270;
	v3 =	vld [tilespmem:s29+$0x5000];
	[tilespmem:s24+$0x4F80] =	vst v2;
	s24 =	smov.u32 s29  }
0x4e: {  	v2 =	vld [tilespmem:s24+$0x4F80];
	_ =	sdelay $0x1  }
0x4f: {  	v4 =	vld [tilespmem:s24+$0x5080];
	_ =	sdelay $0x1  }
0x50: {  	v5 =	vld [tilespmem:s24+$0x5100]  }
0x51: {  	v2 =	vadd.f32 v3, v2  }
0x52: {  	v3 =	vld [tilespmem:s24+$0x5180]  }
0x53: {  	v2 =	vadd.f32 v4, v2  }
0x54: {  	v4 =	vld [tilespmem:s24+$0x5200]  }
0x55: {  	v2 =	vadd.f32 v5, v2  }
0x56: {  	s29 =	sor.u32 s26, s25;
	s25 =	smov.u32 s28;
	v5 =	vld [tilespmem:s24+$0x5280]  }
0x57: {  	s29 =	sor.u32 $0x380, s29;
	v2 =	vadd.f32 v3, v2  }
0x58: {  	v3 =	vld [tilespmem:s29+$0x4F80]  }
0x59: {  	v2 =	vadd.f32 v4, v2  }
0x5a: {  	v4 =	vld [tilespmem:s24+$0x6380]  }
0x5b: {  	v2 =	vadd.f32 v5, v2  }
0x5c: {  	v5 =	vld [tilespmem:s24+$0x6400]  }
0x5d: {  	v2 =	vadd.f32 v3, v2  }
0x5e: {  	v3 =	vld [tilespmem:s24+$0x6480]  }
0x5f: {  	v2 =	vadd.f32 v4, v2  }
0x60: {  	v4 =	vld [tilespmem:s24+$0x6500]  }
0x61: {  	v2 =	vadd.f32 v5, v2  }
0x62: {  	v5 =	vld [tilespmem:s24+$0x6580]  }
0x63: {  	v2 =	vadd.f32 v3, v2  }
0x64: {  	v3 =	vld [tilespmem:s24+$0x6600]  }
0x65: {  	v2 =	vadd.f32 v4, v2  }
0x66: {  	v4 =	vld [tilespmem:s24+$0x6680]  }
0x67: {  	v2 =	vadd.f32 v5, v2  }
0x68: {  	v5 =	vld [tilespmem:s24+$0x6700]  }
0x69: {  	v2 =	vadd.f32 v3, v2  }
.Ltmp2:
0x6a: {  	(pc) =	sbr.rel @p0 .LBB2_6-.Ltmp2, $4  }
0x6b: {  	v2 =	vadd.f32 v4, v2  }
0x6c: {  	s26 =	sadd.s32 $0x80, s26  }
0x6d: {  	s30 =	sand.u32 $0x1C00, s26;
	s29 =	sand.u32 $0x70, s28;
	v2 =	vadd.f32 v5, v2  }
0x6e: {  	s28 =	sadd.s32 $0x10, s28;
	s29 =	sor.u32 s29, s30  }
0x6f: {  	v3 =	vld [tilespmem:s29+$0x5000];
	[tilespmem:s24+$0x4F80] =	vst v2  }
0x70: {  	v2 =	vld [tilespmem:s29+$0x4F80];
	_ =	sdelay $0x1  }
0x71: {  	v4 =	vld [tilespmem:s29+$0x5080];
	_ =	sdelay $0x1  }
0x72: {  	v5 =	vld [tilespmem:s29+$0x5100]  }
0x73: {  	v2 =	vadd.f32 v3, v2  }
0x74: {  	v3 =	vld [tilespmem:s29+$0x5180]  }
0x75: {  	v2 =	vadd.f32 v4, v2  }
0x76: {  	v56 =	vld [tilespmem:s29+$0x5200]  }
0x77: {  	v2 =	vadd.f32 v5, v2  }
0x78: {  	v57 =	vld [tilespmem:s29+$0x5280];
	s31 =	sor.u32 s26, s25  }
0x79: {  	s24 =	sor.u32 $0x380, s31;
	v2 =	vadd.f32 v3, v2  }
0x7a: {  	v3 =	vld [tilespmem:s24+$0x4F80]  }
0x7b: {  	v2 =	vadd.f32 v56, v2  }
0x7c: {  	v58 =	vld [tilespmem:s29+$0x6380]  }
0x7d: {  	v2 =	vadd.f32 v57, v2  }
0x7e: {  	v59 =	vld [tilespmem:s29+$0x6400]  }
0x7f: {  	v2 =	vadd.f32 v3, v2  }
0x80: {  	v3 =	vld [tilespmem:s29+$0x6480]  }
0x81: {  	v2 =	vadd.f32 v58, v2  }
0x82: {  	v60 =	vld [tilespmem:s29+$0x6500]  }
0x83: {  	v2 =	vadd.f32 v59, v2  }
0x84: {  	v61 =	vld [tilespmem:s29+$0x6580]  }
0x85: {  	v2 =	vadd.f32 v3, v2  }
0x86: {  	v3 =	vld [tilespmem:s29+$0x6600]  }
0x87: {  	v2 =	vadd.f32 v60, v2  }
0x88: {  	v62 =	vld [tilespmem:s29+$0x6680]  }
0x89: {  	v2 =	vadd.f32 v61, v2  }
0x8a: {  	v63 =	vld [tilespmem:s29+$0x6700]  }
0x8b: {  	v2 =	vadd.f32 v3, v2;
	_ =	sdelay $0x1  }
0x8c: {  	v2 =	vadd.f32 v62, v2;
	_ =	sdelay $0x1  }
0x8d: {  	v2 =	vadd.f32 v63, v2;
	_ =	sdelay $0x1  }
0x8e: {  	[tilespmem:s29+$0x4F80] =	vst v2  }
0x8f: {  	[hbm4b:s6+s2] =	stream.linear.scatter [tilespmem:s14], [sflag:$0x1], $0x80, $0x38;
	[tilespmem:$0x9F80] =	vst v63  }
0x90: {  	_ = 	snop  }
0x91: {  	[hbm4b:s15+s2] =	stream.linear.scatter [tilespmem:s16], [sflag:$0x1], $0x80, $0x38;
	[tilespmem:$0x9F80] =	vst v63  }
0x92: {  	s23 =	sadd.s32 $0x1, s23  }
0x93: {  	[hbm4b:s17+s2] =	stream.linear.scatter [tilespmem:s18], [sflag:$0x1], $0x80, $0x38;
	[tilespmem:$0x9F80] =	vst v63  }
0x94: {  	p0 =	sne.s32 s23, s7  }
0x95: {  	[hbm4b:s19+s2] =	stream.linear.scatter [tilespmem:s20], [sflag:$0x1], $0x80, $0x38;
	[tilespmem:$0x9F80] =	vst v63  }
.Ltmp3:
0x96: {  	_ = 	snop;
	(pc) =	sbr.rel @p0 .LBB2_1-.Ltmp3, $4  }
0x97: {  	[hbm4b:s21+s2] =	stream.linear.scatter [tilespmem:s22], [sflag:$0x1], $0x80, $0x38;
	[tilespmem:$0x9F80] =	vst v63  }
0x98: {  	_ =	swait.ge [sflag:s8], $0x280  }
0x99: {  	[sflag:s8] =	ssyncset.done $0x0  }
0x9a: {  	[sflag:s8] =	ssyncadd.s32 $0xFFFFFD80  }
0x9b: {  	_ =	sfence.sel $0x180000  }
0x9c: {  	[bflag:$0x0] =	sbarrier.arrive $0xFFFF  }
0x9d: {  	p0 =	sne.s32 s0, $0x0;
	_ =	strace $0x90000047  }
0x9e: {  	s0 =	sadd.s32 @!p0 $0x100000, s1;
	[bflag:$0x2] =	sbarrier.arrive $0xFFFF  }
0x9f: {  	[sflag:s0] =	ssyncadd.tile.s32 @!p0 $0x1;
	_ =	shalt  }
.Lfunc_end2:
_tile_overlayer_lowered:
.L_overlay_start_2:
0xa0: {  	(tag) =	ssettag $0x2  }
0xa1: {  	s0 =	rddreg [dreg:$0x0];
	s2 =	stileid.u32  }
0xa2: {  	s1 =	rddreg [dreg:$0x1];
	p0 =	sne.s32 s2, $0x0  }
0xa3: {  	s3 =	rddreg [dreg:$0x2];
	[bflag:$0x3] =	sbarrier.arrive $0xFFFF;
	s2 =	simm.s32 @!p0 $0x1C01  }
0xa4: {  	[timem:s3], [sflag:s2] =	dma.local @!p0 [hbm:s0], s1  }
0xa5: {  	s0 =	simm.s32 @!p0 $0x1  }
0xa6: {  	_ =	swait.ge @!p0 [sflag:s0], s1  }
0xa7: {  	s1 =	ssub.s32 @!p0 $0x0, s1;
	[sflag:s0] =	ssyncset.done @!p0 $0x0  }
0xa8: {  	[sflag:s0] =	ssyncadd.s32 @!p0 s1  }
0xa9: {  	[bflag:$0x3] =	sbarrier.arrive $0xFFFF  }
0xaa: {  	_ =	shalt  }

</sc_bundles>
